<compile_context>
chip_gen: v7x
topology: tpu7x:2x2x1
jax: 0.10.2.dev20260603
libtpu: 0.0.44.dev20260713+nightly
codegen_flags: <defaults>
</compile_context>

<pallas_src>
import functools

import jax
import jax.numpy as jnp
from jax import lax
from jax.experimental import pallas as pl
from jax.experimental.pallas import tpu as pltpu
from jax.experimental.pallas import tpu_sc as plsc

EPS = 1e-5
K = 16
TW = 128


def _mlp1_body(x_ref, W1_ref, b1_ref, g1_ref, be1_ref, W2_ref, b2_ref, out_ref):
    x = x_ref[...]
    h = jnp.dot(x, W1_ref[...].T, preferred_element_type=jnp.float32) + b1_ref[...][None, :]
    m = jnp.mean(h, axis=0, keepdims=True)
    v = jnp.mean((h - m) ** 2, axis=0, keepdims=True)
    h = g1_ref[...][None, :] * (h - m) / jnp.sqrt(v + EPS) + be1_ref[...][None, :]
    h = jnp.maximum(h, 0.0)
    feats = (jnp.dot(h, W2_ref[...].T, preferred_element_type=jnp.float32)
             + b2_ref[...][None, :])
    pad = jnp.zeros((x.shape[0], TW - 67), jnp.float32)
    out_ref[...] = jnp.concatenate([feats, x, pad], axis=1)


def _mlp1(x_flat, W1, b1, g1, be1, W2, b2):
    BN = x_flat.shape[0]
    return pl.pallas_call(
        _mlp1_body,
        out_shape=jax.ShapeDtypeStruct((BN, TW), jnp.float32),
    )(x_flat, W1, b1, g1, be1, W2, b2)


def _mlp2_body(mg_ref, nx_ref, Wp_ref, W3xT_ref, b3_ref, g2_ref, be2_ref,
               W4_ref, b4_ref, out_ref):
    mg = mg_ref[...]
    nx = nx_ref[...]
    h = (jnp.dot(mg, Wp_ref[...], preferred_element_type=jnp.float32)
         - jnp.dot(nx, W3xT_ref[...], preferred_element_type=jnp.float32)
         + b3_ref[...][None, :])
    m = jnp.mean(h, axis=0, keepdims=True)
    v = jnp.mean((h - m) ** 2, axis=0, keepdims=True)
    h = g2_ref[...][None, :] * (h - m) / jnp.sqrt(v + EPS) + be2_ref[...][None, :]
    h = jnp.maximum(h, 0.0)
    out_ref[...] = (jnp.dot(h, W4_ref[...].T, preferred_element_type=jnp.float32)
                    + b4_ref[...][None, :])


def _mlp2(mg, nx, W3, b3, g2, be2, W4, b4):
    BS = mg.shape[0]
    Wp = jnp.zeros((TW, 64), jnp.float32)
    Wp = Wp.at[0:64].set(W3[:, 3:].T).at[64:67].set(W3[:, :3].T)
    W3xT = W3[:, :3].T
    return pl.pallas_call(
        _mlp2_body,
        out_shape=jax.ShapeDtypeStruct((BS, 64), jnp.float32),
    )(mg, nx, Wp, W3xT, b3, g2, be2, W4, b4)


_SC_CHUNK = 8


def _sc_gather_max(table, idx_flat, BS):
    info = plsc.get_sparse_core_info()
    NC, NS = info.num_cores, info.num_subcores
    NW = NC * NS
    per_w = BS // NW
    n_chunks = per_w // _SC_CHUNK
    mesh = plsc.VectorSubcoreMesh(core_axis_name="c", subcore_axis_name="s")

    @functools.partial(
        pl.kernel, mesh=mesh,
        out_type=jax.ShapeDtypeStruct((BS, TW), jnp.float32),
        scratch_types=[
            pltpu.VMEM((_SC_CHUNK * K,), jnp.int32),
            pltpu.VMEM((_SC_CHUNK * K, TW), jnp.float32),
            pltpu.VMEM((_SC_CHUNK, TW), jnp.float32),
            pltpu.SemaphoreType.DMA,
        ],
    )
    def k(table_hbm, idx_hbm, out_hbm, idx_v, rows_v, out_v, sem):
        wid = lax.axis_index("s") * NC + lax.axis_index("c")
        base = wid * per_w

        def chunk_body(chunk, _):
            cbase = base + chunk * _SC_CHUNK
            pltpu.sync_copy(idx_hbm.at[pl.ds(cbase * K, _SC_CHUNK * K)], idx_v)
            pltpu.async_copy(table_hbm.at[idx_v], rows_v, sem).wait()

            def ci_body(ci, _):
                for g in range(TW // 16):
                    acc = rows_v[ci * K, pl.ds(g * 16, 16)]
                    for r in range(1, K):
                        acc = jnp.maximum(acc, rows_v[ci * K + r, pl.ds(g * 16, 16)])
                    out_v[ci, pl.ds(g * 16, 16)] = acc
                return 0

            lax.fori_loop(0, _SC_CHUNK, ci_body, 0)
            pltpu.sync_copy(out_v, out_hbm.at[pl.ds(cbase, _SC_CHUNK)])
            return 0

        lax.fori_loop(0, n_chunks, chunk_body, 0)

    return k(table, idx_flat)


def _fps_body(x_ref, y_ref, z_ref, cx_ref, cy_ref, cz_ref):
    X = x_ref[...]
    Y = y_ref[...]
    Z = z_ref[...]
    B, N = X.shape
    S = cx_ref.shape[1]
    lane = jax.lax.broadcasted_iota(jnp.int32, (B, N), 1)
    lane128 = jax.lax.broadcasted_iota(jnp.int32, (B, 128), 1)

    def step(j, carry):
        distance, farthest, bufx, bufy, bufz = carry
        sel = lane == farthest
        cx = jnp.sum(jnp.where(sel, X, 0.0), axis=1, keepdims=True)
        cy = jnp.sum(jnp.where(sel, Y, 0.0), axis=1, keepdims=True)
        cz = jnp.sum(jnp.where(sel, Z, 0.0), axis=1, keepdims=True)
        put = lane128 == j
        bufx = jnp.where(put, cx, bufx)
        bufy = jnp.where(put, cy, bufy)
        bufz = jnp.where(put, cz, bufz)
        dx = X - cx
        dy = Y - cy
        dz = Z - cz
        dist = dx * dx + (dy * dy + dz * dz)
        distance = jnp.minimum(distance, dist)
        m = jnp.max(distance, axis=1, keepdims=True)
        nf = jnp.min(jnp.where(distance == m, lane, N), axis=1, keepdims=True)
        return (distance, nf, bufx, bufy, bufz)

    def chunk(c, carry):
        distance, farthest = carry
        buf0 = jnp.zeros((B, 128), jnp.float32)
        distance, farthest, bufx, bufy, bufz = jax.lax.fori_loop(
            0, 128, step, (distance, farthest, buf0, buf0, buf0))
        base = pl.multiple_of(c * 128, 128)
        cx_ref[:, pl.ds(base, 128)] = bufx
        cy_ref[:, pl.ds(base, 128)] = bufy
        cz_ref[:, pl.ds(base, 128)] = bufz
        return (distance, farthest)

    dist0 = jnp.full((B, N), 1e10, jnp.float32)
    f0 = jnp.zeros((B, 1), jnp.int32)
    jax.lax.fori_loop(0, S // 128, chunk, (dist0, f0))


def _fps_pallas(x_in, S, interpret=False):
    B, N, _ = x_in.shape
    xyzT = jnp.transpose(x_in, (2, 0, 1))
    out = pl.pallas_call(
        _fps_body,
        out_shape=[jax.ShapeDtypeStruct((B, S), jnp.float32)] * 3,
        interpret=interpret,
    )(xyzT[0], xyzT[1], xyzT[2])
    return jnp.stack(out, axis=-1)


_SBLK = 256


def _knn_body(cxyz_ref, xyzt_ref, idx_ref):
    C = cxyz_ref[0]
    Xt = xyzt_ref[0]
    N = Xt.shape[1]
    b = pl.program_id(0)
    dot = jnp.dot(C, Xt, preferred_element_type=jnp.float32)
    cc = jnp.sum(C * C, axis=1, keepdims=True)
    xx = jnp.sum(Xt * Xt, axis=0, keepdims=True)
    d = (-2.0 * dot + cc) + xx
    bits = jax.lax.bitcast_convert_type(d, jnp.int32)
    keys = bits ^ ((bits >> 31) & jnp.int32(0x7FFFFFFF))
    lane = jax.lax.broadcasted_iota(jnp.int32, keys.shape, 1)
    imax = jnp.int32(0x7FFFFFFF)
    for t in range(K):
        m = jnp.min(keys, axis=1, keepdims=True)
        idx = jnp.min(jnp.where(keys == m, lane, N), axis=1, keepdims=True)
        keys = jnp.where(lane == idx, imax, keys)
        idx_ref[0, :, pl.ds(t, 1)] = idx + b * N


def _knn_pallas(new_xyz, x_in, interpret=False):
    B, S, _ = new_xyz.shape
    N = x_in.shape[1]
    xyzt = jnp.transpose(x_in, (0, 2, 1))
    grid = (B, S // _SBLK)
    return pl.pallas_call(
        _knn_body,
        grid=grid,
        in_specs=[
            pl.BlockSpec((1, _SBLK, 3), lambda b, s: (b, s, 0)),
            pl.BlockSpec((1, 3, N), lambda b, s: (b, 0, 0)),
        ],
        out_specs=pl.BlockSpec((1, _SBLK, K), lambda b, s: (b, s, 0)),
        out_shape=jax.ShapeDtypeStruct((B, S, K), jnp.int32),
        interpret=interpret,
    )(new_xyz, xyzt)


def _index_points(points, idx):
    if idx.ndim == 2:
        return jnp.take_along_axis(points, idx[:, :, None], axis=1)
    B, S, Kn = idx.shape
    flat = idx.reshape(B, S * Kn)
    g = jnp.take_along_axis(points, flat[:, :, None], axis=1)
    return g.reshape(B, S, Kn, points.shape[-1])


def _square_distance(src, dst):
    d = -2.0 * jnp.einsum('bsc,bnc->bsn', src, dst)
    d = d + jnp.sum(src ** 2, axis=-1)[:, :, None]
    d = d + jnp.sum(dst ** 2, axis=-1)[:, None, :]
    return d


def _farthest_point_sample(xyz, npoint):
    B, N, _ = xyz.shape
    def body(i, state):
        distance, farthest, centroids = state
        centroids = centroids.at[:, i].set(farthest)
        centroid = jnp.take_along_axis(xyz, farthest[:, None, None], axis=1)
        dist = jnp.sum((xyz - centroid) ** 2, axis=-1)
        distance = jnp.minimum(distance, dist)
        farthest = jnp.argmax(distance, axis=-1).astype(jnp.int32)
        return (distance, farthest, centroids)
    distance0 = jnp.full((B, N), 1e10, dtype=xyz.dtype)
    farthest0 = jnp.zeros((B,), dtype=jnp.int32)
    centroids0 = jnp.zeros((B, npoint), dtype=jnp.int32)
    _, _, centroids = jax.lax.fori_loop(0, npoint, body, (distance0, farthest0, centroids0))
    return centroids


def kernel(x_in, W1, b1, g1, be1, W2, b2, W3, b3, g2, be2, W4, b4):
    B, N, _ = x_in.shape
    S = N // 2

    table = _mlp1(x_in.reshape(B * N, 3), W1, b1, g1, be1, W2, b2)
    new_xyz = _fps_pallas(x_in, S)
    knn_glob = _knn_pallas(new_xyz, x_in)
    mg = _sc_gather_max(table, knn_glob.reshape(B * S * K), B * S)
    out = _mlp2(mg, new_xyz.reshape(B * S, 3), W3, b3, g2, be2, W4, b4)
    return out.reshape(B, S, 64)

# --- scband reference (transcript-rebuilt; emitter-appended) ---
"""Pipeline reference for scband-pcdown-76888504533072 (READ-ONLY COPY).

The authoritative reference and input builder live on the scoring server;
editing this copy changes nothing except your own understanding.
"""

import jax, jax.numpy as jnp
import numpy as np

EPS = 1e-5
K = 16

def _conv1x1(x, W, b):
    return jnp.einsum('oc,bcl->bol', W, x) + b[None, :, None]

def _bn_train(x, gamma, beta):
    m = jnp.mean(x, axis=(0, 2), keepdims=True)
    v = jnp.var(x, axis=(0, 2), keepdims=True)
    return gamma[None, :, None] * (x - m) / jnp.sqrt(v + EPS) + beta[None, :, None]

def _index_points(points, idx):
    if idx.ndim == 2:
        return jnp.take_along_axis(points, idx[:, :, None], axis=1)
    B, S, Kn = idx.shape
    flat = idx.reshape(B, S * Kn)
    g = jnp.take_along_axis(points, flat[:, :, None], axis=1)
    return g.reshape(B, S, Kn, points.shape[-1])

def _square_distance(src, dst):
    d = -2.0 * jnp.einsum('bsc,bnc->bsn', src, dst)
    d = d + jnp.sum(src ** 2, axis=-1)[:, :, None]
    d = d + jnp.sum(dst ** 2, axis=-1)[:, None, :]
    return d

def _farthest_point_sample(xyz, npoint):
    B, N, _ = xyz.shape
    def body(i, state):
        distance, farthest, centroids = state
        centroids = centroids.at[:, i].set(farthest)
        centroid = jnp.take_along_axis(xyz, farthest[:, None, None], axis=1)
        dist = jnp.sum((xyz - centroid) ** 2, axis=-1)
        distance = jnp.minimum(distance, dist)
        farthest = jnp.argmax(distance, axis=-1).astype(jnp.int32)
        return (distance, farthest, centroids)
    distance0 = jnp.full((B, N), 1e10, dtype=xyz.dtype)
    farthest0 = jnp.zeros((B,), dtype=jnp.int32)
    centroids0 = jnp.zeros((B, npoint), dtype=jnp.int32)
    _, _, centroids = jax.lax.fori_loop(0, npoint, body, (distance0, farthest0, centroids0))
    return centroids

def _sample_and_group(npoint, k, xyz, points):
    xyz_sg = jax.lax.stop_gradient(xyz)
    fps_idx = _farthest_point_sample(xyz_sg, npoint)
    new_xyz = _index_points(xyz, fps_idx)
    d = _square_distance(jax.lax.stop_gradient(new_xyz), xyz_sg)
    _, knn_idx = jax.lax.top_k(-d, k)
    grouped_xyz = _index_points(xyz, knn_idx)
    grouped_xyz_norm = grouped_xyz - new_xyz[:, :, None, :]
    grouped_points = _index_points(points, knn_idx)
    new_points = jnp.concatenate([grouped_xyz_norm, grouped_points], axis=-1)
    return new_xyz, new_points

def _forward(x_in, W1, b1, g1, be1, W2, b2, W3, b3, g2, be2, W4, b4):
    xt = jnp.transpose(x_in, (0, 2, 1))
    h = _conv1x1(xt, W1, b1)
    h = _bn_train(h, g1, be1)
    h = jax.nn.relu(h)
    h = _conv1x1(h, W2, b2)
    feats = jnp.transpose(h, (0, 2, 1))
    npoint = x_in.shape[1] // 2
    _, x_cat = _sample_and_group(npoint, K, x_in, feats)
    x = jnp.max(x_cat, axis=-2)
    x = jnp.transpose(x, (0, 2, 1))
    x = _conv1x1(x, W3, b3)
    x = _bn_train(x, g2, be2)
    x = jax.nn.relu(x)
    x = _conv1x1(x, W4, b4)
    return jnp.transpose(x, (0, 2, 1))

def setup_inputs(seed: int = 0):
    key = jax.random.key(seed)
    ks = jax.random.split(key, 8)
    B, N, IN_DIM, OUT_DIM, MID = 4, 4096, 3, 64, 32
    x_in = jax.random.normal(ks[0], (B, N, IN_DIM), dtype=jnp.float32)
    W1 = jax.random.normal(ks[1], (MID, IN_DIM), dtype=jnp.float32) / np.sqrt(IN_DIM)
    b1 = jnp.zeros((MID,), dtype=jnp.float32)
    g1 = jnp.ones((MID,), dtype=jnp.float32)
    be1 = jnp.zeros((MID,), dtype=jnp.float32)
    W2 = jax.random.normal(ks[2], (OUT_DIM, MID), dtype=jnp.float32) / np.sqrt(MID)
    b2 = jnp.zeros((OUT_DIM,), dtype=jnp.float32)
    W3 = jax.random.normal(ks[3], (OUT_DIM, OUT_DIM + IN_DIM), dtype=jnp.float32) / np.sqrt(OUT_DIM + IN_DIM)
    b3 = jnp.zeros((OUT_DIM,), dtype=jnp.float32)
    g2 = jnp.ones((OUT_DIM,), dtype=jnp.float32)
    be2 = jnp.zeros((OUT_DIM,), dtype=jnp.float32)
    W4 = jax.random.normal(ks[4], (OUT_DIM, OUT_DIM), dtype=jnp.float32) / np.sqrt(OUT_DIM)
    b4 = jnp.zeros((OUT_DIM,), dtype=jnp.float32)
    return {"x_in": x_in, "W1": W1, "b1": b1, "g1": g1, "be1": be1, "W2": W2, "b2": b2, "W3": W3, "b3": b3, "g2": g2, "be2": be2, "W4": W4, "b4": b4}

def reference(x_in, W1, b1, g1, be1, W2, b2, W3, b3, g2, be2, W4, b4):
    return _forward(x_in, W1, b1, g1, be1, W2, b2, W3, b3, g2, be2, W4, b4)

if __name__ == "__main__":
    import jax
    _d = setup_inputs()
    print(jax.jit(kernel)(*tuple(_d.values())))

</pallas_src>

<mosaic_0001>
#map = affine_map<(d0, d1) -> (0, 0)>
#map1 = affine_map<(d0, d1) -> (0)>
module attributes {stable_mosaic.version = 14 : i64} {
  func.func @k(%arg0: i32, %arg1: i32, %arg2: memref<16384x128xf32, #tpu.memory_space<hbm>>, %arg3: memref<131072xi32, #tpu.memory_space<hbm>>, %arg4: memref<8192x128xf32, #tpu.memory_space<hbm>>, %arg5: memref<128xi32, #tpu.memory_space<vmem>>, %arg6: memref<128x128xf32, #tpu.memory_space<vmem>>, %arg7: memref<8x128xf32, #tpu.memory_space<vmem>>, %arg8: memref<!tpu.dma_semaphore, #tpu.memory_space<semaphore_mem>>) attributes {dimension_semantics = [#tpu.dimension_semantics<core_parallel>, #tpu.dimension_semantics<subcore_parallel>], iteration_bounds = array<i64: 2, 16>, scalar_prefetch = 0 : i64, scratch_operands = 4 : i64, tpu.core_type = #tpu.core_type<sc_vector_subcore>, window_params = [{transform_indices = #map}, {transform_indices = #map1}, {transform_indices = #map}]} {
    %mul3A = arith.constant 2 : i32
    %mul3A_0 = arith.muli %arg1, %mul3A : i32
    %add3A = arith.addi %mul3A_0, %arg0 : i32
    %mul3A_1 = arith.constant 256 : i32
    %mul3A_2 = arith.muli %add3A, %mul3A_1 : i32
    %scan3A = arith.constant 0 : i32
    %scan3A_3 = arith.constant 0 : i32
    %scan3A_4 = arith.constant 32 : i32
    %scan3A_5 = arith.addi %scan3A_3, %scan3A_4 : i32
    %scan3A_6 = arith.constant 1 : i32
    %scan3A_7 = scf.for %scan3A_9 = %scan3A_3 to %scan3A_5 step %scan3A_6 iter_args(%scan3A_10 = %scan3A) -> (i32)  : i32 {
      %mul3A_11 = arith.constant 8 : i32
      %mul3A_12 = arith.muli %scan3A_9, %mul3A_11 : i32
      %add3A_13 = arith.addi %mul3A_2, %mul3A_12 : i32
      %mul3A_14 = arith.constant 16 : i32
      %mul3A_15 = arith.muli %add3A_13, %mul3A_14 : i32
      "tpu.region"() ({
        %run_scoped3A = tpu.sem_alloc : memref<!tpu.dma_semaphore, #tpu.memory_space<semaphore_mem>>
        %dma_start3A_28 = tpu.memref_slice %arg3[%mul3A_15] : memref<131072xi32, #tpu.memory_space<hbm>> -> memref<128xi32, #tpu.memory_space<hbm>>
        %dma_start3A_29 = tpu.memref_slice %arg3[%mul3A_15] : memref<131072xi32, #tpu.memory_space<hbm>> -> memref<128xi32, #tpu.memory_space<hbm>>
        tpu.enqueue_dma source(%dma_start3A_29 : memref<128xi32, #tpu.memory_space<hbm>>) target(%arg5 : memref<128xi32, #tpu.memory_space<vmem>>) target_semaphore(%run_scoped3A : memref<!tpu.dma_semaphore, #tpu.memory_space<semaphore_mem>>)
        %dma_wait3A_30 = tpu.memref_slice %arg3[%mul3A_15] : memref<131072xi32, #tpu.memory_space<hbm>> -> memref<128xi32, #tpu.memory_space<hbm>>
        %dma_wait3A_31 = tpu.memref_slice %arg3[%mul3A_15] : memref<131072xi32, #tpu.memory_space<hbm>> -> memref<128xi32, #tpu.memory_space<hbm>>
        tpu.wait_dma2 semaphore(%run_scoped3A : memref<!tpu.dma_semaphore, #tpu.memory_space<semaphore_mem>>) src(%dma_wait3A_31 : memref<128xi32, #tpu.memory_space<hbm>>) dst(%arg5 : memref<128xi32, #tpu.memory_space<vmem>>)
        tpu.yield
      }) : () -> ()
      %dma_start3A = arith.constant 0 : i32
      %dma_start3A_16 = arith.constant 0 : i32
      %dma_start3A_17 = tpu.memref_slice %arg2[%dma_start3A, %dma_start3A_16] : memref<16384x128xf32, #tpu.memory_space<hbm>> -> memref<16384x128xf32, #tpu.memory_space<hbm>>
      tpu.enqueue_indirect_dma source(%dma_start3A_17 : memref<16384x128xf32, #tpu.memory_space<hbm>>) target(%arg6 : memref<128x128xf32, #tpu.memory_space<vmem>>) offsets(%arg5 : memref<128xi32, #tpu.memory_space<vmem>>) semaphore(%arg8 : memref<!tpu.dma_semaphore, #tpu.memory_space<semaphore_mem>>)
      %dma_wait3A = arith.constant 0 : i32
      %dma_wait3A_18 = arith.constant 0 : i32
      %dma_wait3A_19 = tpu.memref_slice %arg2[%dma_wait3A, %dma_wait3A_18] : memref<16384x128xf32, #tpu.memory_space<hbm>> -> memref<16384x128xf32, #tpu.memory_space<hbm>>
      tpu.wait_indirect_dma semaphore(%arg8 : memref<!tpu.dma_semaphore, #tpu.memory_space<semaphore_mem>>) src(%dma_wait3A_19 : memref<16384x128xf32, #tpu.memory_space<hbm>>) dst(%arg6 : memref<128x128xf32, #tpu.memory_space<vmem>>)
      %scan3A_20 = arith.constant 0 : i32
      %scan3A_21 = arith.constant 0 : i32
      %scan3A_22 = arith.constant 8 : i32
      %scan3A_23 = arith.addi %scan3A_21, %scan3A_22 : i32
      %scan3A_24 = arith.constant 1 : i32
      %scan3A_25 = scf.for %scan3A_28 = %scan3A_21 to %scan3A_23 step %scan3A_24 iter_args(%scan3A_29 = %scan3A_20) -> (i32)  : i32 {
        %mul3A_30 = arith.constant 16 : i32
        %mul3A_31 = arith.muli %scan3A_28, %mul3A_30 : i32
        %get3A = arith.index_cast %mul3A_31 : i32 to index
        %get3A_32 = arith.constant 0 : index
        %get3A_33 = tpu.vector_load %arg6[%get3A, %get3A_32] {strides = array<i32>} : memref<128x128xf32, #tpu.memory_space<vmem>>, vector<1x16xf32>,
        %get3A_34 = vector.shape_cast %get3A_33 : vector<1x16xf32> to vector<16xf32>
        %mul3A_35 = arith.constant 16 : i32
        %mul3A_36 = arith.muli %scan3A_28, %mul3A_35 : i32
        %add3A_37 = arith.constant 1 : i32
        %add3A_38 = arith.addi %mul3A_36, %add3A_37 : i32
        %get3A_39 = arith.index_cast %add3A_38 : i32 to index
        %get3A_40 = arith.constant 0 : index
        %get3A_41 = tpu.vector_load %arg6[%get3A_39, %get3A_40] {strides = array<i32>} : memref<128x128xf32, #tpu.memory_space<vmem>>, vector<1x16xf32>,
        %get3A_42 = vector.shape_cast %get3A_41 : vector<1x16xf32> to vector<16xf32>
        %max3A = arith.maximumf %get3A_34, %get3A_42 : vector<16xf32>
        %mul3A_43 = arith.constant 16 : i32
        %mul3A_44 = arith.muli %scan3A_28, %mul3A_43 : i32
        %add3A_45 = arith.constant 2 : i32
        %add3A_46 = arith.addi %mul3A_44, %add3A_45 : i32
        %get3A_47 = arith.index_cast %add3A_46 : i32 to index
        %get3A_48 = arith.constant 0 : index
        %get3A_49 = tpu.vector_load %arg6[%get3A_47, %get3A_48] {strides = array<i32>} : memref<128x128xf32, #tpu.memory_space<vmem>>, vector<1x16xf32>,
        %get3A_50 = vector.shape_cast %get3A_49 : vector<1x16xf32> to vector<16xf32>
        %max3A_51 = arith.maximumf %max3A, %get3A_50 : vector<16xf32>
        %mul3A_52 = arith.constant 16 : i32
        %mul3A_53 = arith.muli %scan3A_28, %mul3A_52 : i32
        %add3A_54 = arith.constant 3 : i32
        %add3A_55 = arith.addi %mul3A_53, %add3A_54 : i32
        %get3A_56 = arith.index_cast %add3A_55 : i32 to index
        %get3A_57 = arith.constant 0 : index
        %get3A_58 = tpu.vector_load %arg6[%get3A_56, %get3A_57] {strides = array<i32>} : memref<128x128xf32, #tpu.memory_space<vmem>>, vector<1x16xf32>,
        %get3A_59 = vector.shape_cast %get3A_58 : vector<1x16xf32> to vector<16xf32>
        %max3A_60 = arith.maximumf %max3A_51, %get3A_59 : vector<16xf32>
        %mul3A_61 = arith.constant 16 : i32
        %mul3A_62 = arith.muli %scan3A_28, %mul3A_61 : i32
        %add3A_63 = arith.constant 4 : i32
        %add3A_64 = arith.addi %mul3A_62, %add3A_63 : i32
        %get3A_65 = arith.index_cast %add3A_64 : i32 to index
        %get3A_66 = arith.constant 0 : index
        %get3A_67 = tpu.vector_load %arg6[%get3A_65, %get3A_66] {strides = array<i32>} : memref<128x128xf32, #tpu.memory_space<vmem>>, vector<1x16xf32>,
        %get3A_68 = vector.shape_cast %get3A_67 : vector<1x16xf32> to vector<16xf32>
        %max3A_69 = arith.maximumf %max3A_60, %get3A_68 : vector<16xf32>
        %mul3A_70 = arith.constant 16 : i32
        %mul3A_71 = arith.muli %scan3A_28, %mul3A_70 : i32
        %add3A_72 = arith.constant 5 : i32
        %add3A_73 = arith.addi %mul3A_71, %add3A_72 : i32
        %get3A_74 = arith.index_cast %add3A_73 : i32 to index
        %get3A_75 = arith.constant 0 : index
        %get3A_76 = tpu.vector_load %arg6[%get3A_74, %get3A_75] {strides = array<i32>} : memref<128x128xf32, #tpu.memory_space<vmem>>, vector<1x16xf32>,
        %get3A_77 = vector.shape_cast %get3A_76 : vector<1x16xf32> to vector<16xf32>
        %max3A_78 = arith.maximumf %max3A_69, %get3A_77 : vector<16xf32>
        %mul3A_79 = arith.constant 16 : i32
        %mul3A_80 = arith.muli %scan3A_28, %mul3A_79 : i32
        %add3A_81 = arith.constant 6 : i32
        %add3A_82 = arith.addi %mul3A_80, %add3A_81 : i32
        %get3A_83 = arith.index_cast %add3A_82 : i32 to index
        %get3A_84 = arith.constant 0 : index
        %get3A_85 = tpu.vector_load %arg6[%get3A_83, %get3A_84] {strides = array<i32>} : memref<128x128xf32, #tpu.memory_space<vmem>>, vector<1x16xf32>,
        %get3A_86 = vector.shape_cast %get3A_85 : vector<1x16xf32> to vector<16xf32>
        %max3A_87 = arith.maximumf %max3A_78, %get3A_86 : vector<16xf32>
        %mul3A_88 = arith.constant 16 : i32
        %mul3A_89 = arith.muli %scan3A_28, %mul3A_88 : i32
        %add3A_90 = arith.constant 7 : i32
        %add3A_91 = arith.addi %mul3A_89, %add3A_90 : i32
        %get3A_92 = arith.index_cast %add3A_91 : i32 to index
        %get3A_93 = arith.constant 0 : index
        %get3A_94 = tpu.vector_load %arg6[%get3A_92, %get3A_93] {strides = array<i32>} : memref<128x128xf32, #tpu.memory_space<vmem>>, vector<1x16xf32>,
        %get3A_95 = vector.shape_cast %get3A_94 : vector<1x16xf32> to vector<16xf32>
        %max3A_96 = arith.maximumf %max3A_87, %get3A_95 : vector<16xf32>
        %mul3A_97 = arith.constant 16 : i32
        %mul3A_98 = arith.muli %scan3A_28, %mul3A_97 : i32
        %add3A_99 = arith.constant 8 : i32
        %add3A_100 = arith.addi %mul3A_98, %add3A_99 : i32
        %get3A_101 = arith.index_cast %add3A_100 : i32 to index
        %get3A_102 = arith.constant 0 : index
        %get3A_103 = tpu.vector_load %arg6[%get3A_101, %get3A_102] {strides = array<i32>} : memref<128x128xf32, #tpu.memory_space<vmem>>, vector<1x16xf32>,
        %get3A_104 = vector.shape_cast %get3A_103 : vector<1x16xf32> to vector<16xf32>
        %max3A_105 = arith.maximumf %max3A_96, %get3A_104 : vector<16xf32>
        %mul3A_106 = arith.constant 16 : i32
        %mul3A_107 = arith.muli %scan3A_28, %mul3A_106 : i32
        %add3A_108 = arith.constant 9 : i32
        %add3A_109 = arith.addi %mul3A_107, %add3A_108 : i32
        %get3A_110 = arith.index_cast %add3A_109 : i32 to index
        %get3A_111 = arith.constant 0 : index
        %get3A_112 = tpu.vector_load %arg6[%get3A_110, %get3A_111] {strides = array<i32>} : memref<128x128xf32, #tpu.memory_space<vmem>>, vector<1x16xf32>,
        %get3A_113 = vector.shape_cast %get3A_112 : vector<1x16xf32> to vector<16xf32>
        %max3A_114 = arith.maximumf %max3A_105, %get3A_113 : vector<16xf32>
        %mul3A_115 = arith.constant 16 : i32
        %mul3A_116 = arith.muli %scan3A_28, %mul3A_115 : i32
        %add3A_117 = arith.constant 10 : i32
        %add3A_118 = arith.addi %mul3A_116, %add3A_117 : i32
        %get3A_119 = arith.index_cast %add3A_118 : i32 to index
        %get3A_120 = arith.constant 0 : index
        %get3A_121 = tpu.vector_load %arg6[%get3A_119, %get3A_120] {strides = array<i32>} : memref<128x128xf32, #tpu.memory_space<vmem>>, vector<1x16xf32>,
        %get3A_122 = vector.shape_cast %get3A_121 : vector<1x16xf32> to vector<16xf32>
        %max3A_123 = arith.maximumf %max3A_114, %get3A_122 : vector<16xf32>
        %mul3A_124 = arith.constant 16 : i32
        %mul3A_125 = arith.muli %scan3A_28, %mul3A_124 : i32
        %add3A_126 = arith.constant 11 : i32
        %add3A_127 = arith.addi %mul3A_125, %add3A_126 : i32
        %get3A_128 = arith.index_cast %add3A_127 : i32 to index
        %get3A_129 = arith.constant 0 : index
        %get3A_130 = tpu.vector_load %arg6[%get3A_128, %get3A_129] {strides = array<i32>} : memref<128x128xf32, #tpu.memory_space<vmem>>, vector<1x16xf32>,
        %get3A_131 = vector.shape_cast %get3A_130 : vector<1x16xf32> to vector<16xf32>
        %max3A_132 = arith.maximumf %max3A_123, %get3A_131 : vector<16xf32>
        %mul3A_133 = arith.constant 16 : i32
        %mul3A_134 = arith.muli %scan3A_28, %mul3A_133 : i32
        %add3A_135 = arith.constant 12 : i32
        %add3A_136 = arith.addi %mul3A_134, %add3A_135 : i32
        %get3A_137 = arith.index_cast %add3A_136 : i32 to index
        %get3A_138 = arith.constant 0 : index
        %get3A_139 = tpu.vector_load %arg6[%get3A_137, %get3A_138] {strides = array<i32>} : memref<128x128xf32, #tpu.memory_space<vmem>>, vector<1x16xf32>,
        %get3A_140 = vector.shape_cast %get3A_139 : vector<1x16xf32> to vector<16xf32>
        %max3A_141 = arith.maximumf %max3A_132, %get3A_140 : vector<16xf32>
        %mul3A_142 = arith.constant 16 : i32
        %mul3A_143 = arith.muli %scan3A_28, %mul3A_142 : i32
        %add3A_144 = arith.constant 13 : i32
        %add3A_145 = arith.addi %mul3A_143, %add3A_144 : i32
        %get3A_146 = arith.index_cast %add3A_145 : i32 to index
        %get3A_147 = arith.constant 0 : index
        %get3A_148 = tpu.vector_load %arg6[%get3A_146, %get3A_147] {strides = array<i32>} : memref<128x128xf32, #tpu.memory_space<vmem>>, vector<1x16xf32>,
        %get3A_149 = vector.shape_cast %get3A_148 : vector<1x16xf32> to vector<16xf32>
        %max3A_150 = arith.maximumf %max3A_141, %get3A_149 : vector<16xf32>
        %mul3A_151 = arith.constant 16 : i32
        %mul3A_152 = arith.muli %scan3A_28, %mul3A_151 : i32
        %add3A_153 = arith.constant 14 : i32
        %add3A_154 = arith.addi %mul3A_152, %add3A_153 : i32
        %get3A_155 = arith.index_cast %add3A_154 : i32 to index
        %get3A_156 = arith.constant 0 : index
        %get3A_157 = tpu.vector_load %arg6[%get3A_155, %get3A_156] {strides = array<i32>} : memref<128x128xf32, #tpu.memory_space<vmem>>, vector<1x16xf32>,
        %get3A_158 = vector.shape_cast %get3A_157 : vector<1x16xf32> to vector<16xf32>
        %max3A_159 = arith.maximumf %max3A_150, %get3A_158 : vector<16xf32>
        %mul3A_160 = arith.constant 16 : i32
        %mul3A_161 = arith.muli %scan3A_28, %mul3A_160 : i32
        %add3A_162 = arith.constant 15 : i32
        %add3A_163 = arith.addi %mul3A_161, %add3A_162 : i32
        %get3A_164 = arith.index_cast %add3A_163 : i32 to index
        %get3A_165 = arith.constant 0 : index
        %get3A_166 = tpu.vector_load %arg6[%get3A_164, %get3A_165] {strides = array<i32>} : memref<128x128xf32, #tpu.memory_space<vmem>>, vector<1x16xf32>,
        %get3A_167 = vector.shape_cast %get3A_166 : vector<1x16xf32> to vector<16xf32>
        %max3A_168 = arith.maximumf %max3A_159, %get3A_167 : vector<16xf32>
        %swap3A = arith.index_cast %scan3A_28 : i32 to index
        %swap3A_169 = arith.constant 0 : index
        %swap3A_170 = tpu.vector_load %arg7[%swap3A, %swap3A_169] {strides = array<i32>} : memref<8x128xf32, #tpu.memory_space<vmem>>, vector<1x16xf32>,
        %swap3A_171 = vector.shape_cast %swap3A_170 : vector<1x16xf32> to vector<16xf32>
        %swap3A_172 = vector.shape_cast %max3A_168 : vector<16xf32> to vector<1x16xf32>
        tpu.vector_store %arg7[%swap3A, %swap3A_169], %swap3A_172 {strides = array<i32>} : memref<8x128xf32, #tpu.memory_space<vmem>>, vector<1x16xf32>,
        %mul3A_173 = arith.constant 16 : i32
        %mul3A_174 = arith.muli %scan3A_28, %mul3A_173 : i32
        %get3A_175 = arith.index_cast %mul3A_174 : i32 to index
        %get3A_176 = arith.constant 16 : index
        %get3A_177 = tpu.vector_load %arg6[%get3A_175, %get3A_176] {strides = array<i32>} : memref<128x128xf32, #tpu.memory_space<vmem>>, vector<1x16xf32>,
        %get3A_178 = vector.shape_cast %get3A_177 : vector<1x16xf32> to vector<16xf32>
        %mul3A_179 = arith.constant 16 : i32
        %mul3A_180 = arith.muli %scan3A_28, %mul3A_179 : i32
        %add3A_181 = arith.constant 1 : i32
        %add3A_182 = arith.addi %mul3A_180, %add3A_181 : i32
        %get3A_183 = arith.index_cast %add3A_182 : i32 to index
        %get3A_184 = arith.constant 16 : index
        %get3A_185 = tpu.vector_load %arg6[%get3A_183, %get3A_184] {strides = array<i32>} : memref<128x128xf32, #tpu.memory_space<vmem>>, vector<1x16xf32>,
        %get3A_186 = vector.shape_cast %get3A_185 : vector<1x16xf32> to vector<16xf32>
        %max3A_187 = arith.maximumf %get3A_178, %get3A_186 : vector<16xf32>
        %mul3A_188 = arith.constant 16 : i32
        %mul3A_189 = arith.muli %scan3A_28, %mul3A_188 : i32
        %add3A_190 = arith.constant 2 : i32
        %add3A_191 = arith.addi %mul3A_189, %add3A_190 : i32
        %get3A_192 = arith.index_cast %add3A_191 : i32 to index
        %get3A_193 = arith.constant 16 : index
        %get3A_194 = tpu.vector_load %arg6[%get3A_192, %get3A_193] {strides = array<i32>} : memref<128x128xf32, #tpu.memory_space<vmem>>, vector<1x16xf32>,
        %get3A_195 = vector.shape_cast %get3A_194 : vector<1x16xf32> to vector<16xf32>
        %max3A_196 = arith.maximumf %max3A_187, %get3A_195 : vector<16xf32>
        %mul3A_197 = arith.constant 16 : i32
        %mul3A_198 = arith.muli %scan3A_28, %mul3A_197 : i32
        %add3A_199 = arith.constant 3 : i32
        %add3A_200 = arith.addi %mul3A_198, %add3A_199 : i32
        %get3A_201 = arith.index_cast %add3A_200 : i32 to index
        %get3A_202 = arith.constant 16 : index
        %get3A_203 = tpu.vector_load %arg6[%get3A_201, %get3A_202] {strides = array<i32>} : memref<128x128xf32, #tpu.memory_space<vmem>>, vector<1x16xf32>,
        %get3A_204 = vector.shape_cast %get3A_203 : vector<1x16xf32> to vector<16xf32>
        %max3A_205 = arith.maximumf %max3A_196, %get3A_204 : vector<16xf32>
        %mul3A_206 = arith.constant 16 : i32
        %mul3A_207 = arith.muli %scan3A_28, %mul3A_206 : i32
        %add3A_208 = arith.constant 4 : i32
        %add3A_209 = arith.addi %mul3A_207, %add3A_208 : i32
        %get3A_210 = arith.index_cast %add3A_209 : i32 to index
        %get3A_211 = arith.constant 16 : index
        %get3A_212 = tpu.vector_load %arg6[%get3A_210, %get3A_211] {strides = array<i32>} : memref<128x128xf32, #tpu.memory_space<vmem>>, vector<1x16xf32>,
        %get3A_213 = vector.shape_cast %get3A_212 : vector<1x16xf32> to vector<16xf32>
        %max3A_214 = arith.maximumf %max3A_205, %get3A_213 : vector<16xf32>
        %mul3A_215 = arith.constant 16 : i32
        %mul3A_216 = arith.muli %scan3A_28, %mul3A_215 : i32
        %add3A_217 = arith.constant 5 : i32
        %add3A_218 = arith.addi %mul3A_216, %add3A_217 : i32
        %get3A_219 = arith.index_cast %add3A_218 : i32 to index
        %get3A_220 = arith.constant 16 : index
        %get3A_221 = tpu.vector_load %arg6[%get3A_219, %get3A_220] {strides = array<i32>} : memref<128x128xf32, #tpu.memory_space<vmem>>, vector<1x16xf32>,
        %get3A_222 = vector.shape_cast %get3A_221 : vector<1x16xf32> to vector<16xf32>
        %max3A_223 = arith.maximumf %max3A_214, %get3A_222 : vector<16xf32>
        %mul3A_224 = arith.constant 16 : i32
        %mul3A_225 = arith.muli %scan3A_28, %mul3A_224 : i32
        %add3A_226 = arith.constant 6 : i32
        %add3A_227 = arith.addi %mul3A_225, %add3A_226 : i32
        %get3A_228 = arith.index_cast %add3A_227 : i32 to index
        %get3A_229 = arith.constant 16 : index
        %get3A_230 = tpu.vector_load %arg6[%get3A_228, %get3A_229] {strides = array<i32>} : memref<128x128xf32, #tpu.memory_space<vmem>>, vector<1x16xf32>,
        %get3A_231 = vector.shape_cast %get3A_230 : vector<1x16xf32> to vector<16xf32>
        %max3A_232 = arith.maximumf %max3A_223, %get3A_231 : vector<16xf32>
        %mul3A_233 = arith.constant 16 : i32
        %mul3A_234 = arith.muli %scan3A_28, %mul3A_233 : i32
        %add3A_235 = arith.constant 7 : i32
        %add3A_236 = arith.addi %mul3A_234, %add3A_235 : i32
        %get3A_237 = arith.index_cast %add3A_236 : i32 to index
        %get3A_238 = arith.constant 16 : index
        %get3A_239 = tpu.vector_load %arg6[%get3A_237, %get3A_238] {strides = array<i32>} : memref<128x128xf32, #tpu.memory_space<vmem>>, vector<1x16xf32>,
        %get3A_240 = vector.shape_cast %get3A_239 : vector<1x16xf32> to vector<16xf32>
        %max3A_241 = arith.maximumf %max3A_232, %get3A_240 : vector<16xf32>
        %mul3A_242 = arith.constant 16 : i32
        %mul3A_243 = arith.muli %scan3A_28, %mul3A_242 : i32
        %add3A_244 = arith.constant 8 : i32
        %add3A_245 = arith.addi %mul3A_243, %add3A_244 : i32
        %get3A_246 = arith.index_cast %add3A_245 : i32 to index
        %get3A_247 = arith.constant 16 : index
        %get3A_248 = tpu.vector_load %arg6[%get3A_246, %get3A_247] {strides = array<i32>} : memref<128x128xf32, #tpu.memory_space<vmem>>, vector<1x16xf32>,
        %get3A_249 = vector.shape_cast %get3A_248 : vector<1x16xf32> to vector<16xf32>
        %max3A_250 = arith.maximumf %max3A_241, %get3A_249 : vector<16xf32>
        %mul3A_251 = arith.constant 16 : i32
        %mul3A_252 = arith.muli %scan3A_28, %mul3A_251 : i32
        %add3A_253 = arith.constant 9 : i32
        %add3A_254 = arith.addi %mul3A_252, %add3A_253 : i32
        %get3A_255 = arith.index_cast %add3A_254 : i32 to index
        %get3A_256 = arith.constant 16 : index
        %get3A_257 = tpu.vector_load %arg6[%get3A_255, %get3A_256] {strides = array<i32>} : memref<128x128xf32, #tpu.memory_space<vmem>>, vector<1x16xf32>,
        %get3A_258 = vector.shape_cast %get3A_257 : vector<1x16xf32> to vector<16xf32>
        %max3A_259 = arith.maximumf %max3A_250, %get3A_258 : vector<16xf32>
        %mul3A_260 = arith.constant 16 : i32
        %mul3A_261 = arith.muli %scan3A_28, %mul3A_260 : i32
        %add3A_262 = arith.constant 10 : i32
        %add3A_263 = arith.addi %mul3A_261, %add3A_262 : i32
        %get3A_264 = arith.index_cast %add3A_263 : i32 to index
        %get3A_265 = arith.constant 16 : index
        %get3A_266 = tpu.vector_load %arg6[%get3A_264, %get3A_265] {strides = array<i32>} : memref<128x128xf32, #tpu.memory_space<vmem>>, vector<1x16xf32>,
        %get3A_267 = vector.shape_cast %get3A_266 : vector<1x16xf32> to vector<16xf32>
        %max3A_268 = arith.maximumf %max3A_259, %get3A_267 : vector<16xf32>
        %mul3A_269 = arith.constant 16 : i32
        %mul3A_270 = arith.muli %scan3A_28, %mul3A_269 : i32
        %add3A_271 = arith.constant 11 : i32
        %add3A_272 = arith.addi %mul3A_270, %add3A_271 : i32
        %get3A_273 = arith.index_cast %add3A_272 : i32 to index
        %get3A_274 = arith.constant 16 : index
        %get3A_275 = tpu.vector_load %arg6[%get3A_273, %get3A_274] {strides = array<i32>} : memref<128x128xf32, #tpu.memory_space<vmem>>, vector<1x16xf32>,
        %get3A_276 = vector.shape_cast %get3A_275 : vector<1x16xf32> to vector<16xf32>
        %max3A_277 = arith.maximumf %max3A_268, %get3A_276 : vector<16xf32>
        %mul3A_278 = arith.constant 16 : i32
        %mul3A_279 = arith.muli %scan3A_28, %mul3A_278 : i32
        %add3A_280 = arith.constant 12 : i32
        %add3A_281 = arith.addi %mul3A_279, %add3A_280 : i32
        %get3A_282 = arith.index_cast %add3A_281 : i32 to index
        %get3A_283 = arith.constant 16 : index
        %get3A_284 = tpu.vector_load %arg6[%get3A_282, %get3A_283] {strides = array<i32>} : memref<128x128xf32, #tpu.memory_space<vmem>>, vector<1x16xf32>,
        %get3A_285 = vector.shape_cast %get3A_284 : vector<1x16xf32> to vector<16xf32>
        %max3A_286 = arith.maximumf %max3A_277, %get3A_285 : vector<16xf32>
        %mul3A_287 = arith.constant 16 : i32
        %mul3A_288 = arith.muli %scan3A_28, %mul3A_287 : i32
        %add3A_289 = arith.constant 13 : i32
        %add3A_290 = arith.addi %mul3A_288, %add3A_289 : i32
        %get3A_291 = arith.index_cast %add3A_290 : i32 to index
        %get3A_292 = arith.constant 16 : index
        %get3A_293 = tpu.vector_load %arg6[%get3A_291, %get3A_292] {strides = array<i32>} : memref<128x128xf32, #tpu.memory_space<vmem>>, vector<1x16xf32>,
        %get3A_294 = vector.shape_cast %get3A_293 : vector<1x16xf32> to vector<16xf32>
        %max3A_295 = arith.maximumf %max3A_286, %get3A_294 : vector<16xf32>
        %mul3A_296 = arith.constant 16 : i32
        %mul3A_297 = arith.muli %scan3A_28, %mul3A_296 : i32
        %add3A_298 = arith.constant 14 : i32
        %add3A_299 = arith.addi %mul3A_297, %add3A_298 : i32
        %get3A_300 = arith.index_cast %add3A_299 : i32 to index
        %get3A_301 = arith.constant 16 : index
        %get3A_302 = tpu.vector_load %arg6[%get3A_300, %get3A_301] {strides = array<i32>} : memref<128x128xf32, #tpu.memory_space<vmem>>, vector<1x16xf32>,
        %get3A_303 = vector.shape_cast %get3A_302 : vector<1x16xf32> to vector<16xf32>
        %max3A_304 = arith.maximumf %max3A_295, %get3A_303 : vector<16xf32>
        %mul3A_305 = arith.constant 16 : i32
        %mul3A_306 = arith.muli %scan3A_28, %mul3A_305 : i32
        %add3A_307 = arith.constant 15 : i32
        %add3A_308 = arith.addi %mul3A_306, %add3A_307 : i32
        %get3A_309 = arith.index_cast %add3A_308 : i32 to index
        %get3A_310 = arith.constant 16 : index
        %get3A_311 = tpu.vector_load %arg6[%get3A_309, %get3A_310] {strides = array<i32>} : memref<128x128xf32, #tpu.memory_space<vmem>>, vector<1x16xf32>,
        %get3A_312 = vector.shape_cast %get3A_311 : vector<1x16xf32> to vector<16xf32>
        %max3A_313 = arith.maximumf %max3A_304, %get3A_312 : vector<16xf32>
        %swap3A_314 = arith.index_cast %scan3A_28 : i32 to index
        %swap3A_315 = arith.constant 16 : index
        %swap3A_316 = tpu.vector_load %arg7[%swap3A_314, %swap3A_315] {strides = array<i32>} : memref<8x128xf32, #tpu.memory_space<vmem>>, vector<1x16xf32>,
        %swap3A_317 = vector.shape_cast %swap3A_316 : vector<1x16xf32> to vector<16xf32>
        %swap3A_318 = vector.shape_cast %max3A_313 : vector<16xf32> to vector<1x16xf32>
        tpu.vector_store %arg7[%swap3A_314, %swap3A_315], %swap3A_318 {strides = array<i32>} : memref<8x128xf32, #tpu.memory_space<vmem>>, vector<1x16xf32>,
        %mul3A_319 = arith.constant 16 : i32
        %mul3A_320 = arith.muli %scan3A_28, %mul3A_319 : i32
        %get3A_321 = arith.index_cast %mul3A_320 : i32 to index
        %get3A_322 = arith.constant 32 : index
        %get3A_323 = tpu.vector_load %arg6[%get3A_321, %get3A_322] {strides = array<i32>} : memref<128x128xf32, #tpu.memory_space<vmem>>, vector<1x16xf32>,
        %get3A_324 = vector.shape_cast %get3A_323 : vector<1x16xf32> to vector<16xf32>
        %mul3A_325 = arith.constant 16 : i32
        %mul3A_326 = arith.muli %scan3A_28, %mul3A_325 : i32
        %add3A_327 = arith.constant 1 : i32
        %add3A_328 = arith.addi %mul3A_326, %add3A_327 : i32
        %get3A_329 = arith.index_cast %add3A_328 : i32 to index
        %get3A_330 = arith.constant 32 : index
        %get3A_331 = tpu.vector_load %arg6[%get3A_329, %get3A_330] {strides = array<i32>} : memref<128x128xf32, #tpu.memory_space<vmem>>, vector<1x16xf32>,
        %get3A_332 = vector.shape_cast %get3A_331 : vector<1x16xf32> to vector<16xf32>
        %max3A_333 = arith.maximumf %get3A_324, %get3A_332 : vector<16xf32>
        %mul3A_334 = arith.constant 16 : i32
        %mul3A_335 = arith.muli %scan3A_28, %mul3A_334 : i32
        %add3A_336 = arith.constant 2 : i32
        %add3A_337 = arith.addi %mul3A_335, %add3A_336 : i32
        %get3A_338 = arith.index_cast %add3A_337 : i32 to index
        %get3A_339 = arith.constant 32 : index
        %get3A_340 = tpu.vector_load %arg6[%get3A_338, %get3A_339] {strides = array<i32>} : memref<128x128xf32, #tpu.memory_space<vmem>>, vector<1x16xf32>,
        %get3A_341 = vector.shape_cast %get3A_340 : vector<1x16xf32> to vector<16xf32>
        %max3A_342 = arith.maximumf %max3A_333, %get3A_341 : vector<16xf32>
        %mul3A_343 = arith.constant 16 : i32
        %mul3A_344 = arith.muli %scan3A_28, %mul3A_343 : i32
        %add3A_345 = arith.constant 3 : i32
        %add3A_346 = arith.addi %mul3A_344, %add3A_345 : i32
        %get3A_347 = arith.index_cast %add3A_346 : i32 to index
        %get3A_348 = arith.constant 32 : index
        %get3A_349 = tpu.vector_load %arg6[%get3A_347, %get3A_348] {strides = array<i32>} : memref<128x128xf32, #tpu.memory_space<vmem>>, vector<1x16xf32>,
        %get3A_350 = vector.shape_cast %get3A_349 : vector<1x16xf32> to vector<16xf32>
        %max3A_351 = arith.maximumf %max3A_342, %get3A_350 : vector<16xf32>
        %mul3A_352 = arith.constant 16 : i32
        %mul3A_353 = arith.muli %scan3A_28, %mul3A_352 : i32
        %add3A_354 = arith.constant 4 : i32
        %add3A_355 = arith.addi %mul3A_353, %add3A_354 : i32
        %get3A_356 = arith.index_cast %add3A_355 : i32 to index
        %get3A_357 = arith.constant 32 : index
        %get3A_358 = tpu.vector_load %arg6[%get3A_356, %get3A_357] {strides = array<i32>} : memref<128x128xf32, #tpu.memory_space<vmem>>, vector<1x16xf32>,
        %get3A_359 = vector.shape_cast %get3A_358 : vector<1x16xf32> to vector<16xf32>
        %max3A_360 = arith.maximumf %max3A_351, %get3A_359 : vector<16xf32>
        %mul3A_361 = arith.constant 16 : i32
        %mul3A_362 = arith.muli %scan3A_28, %mul3A_361 : i32
        %add3A_363 = arith.constant 5 : i32
        %add3A_364 = arith.addi %mul3A_362, %add3A_363 : i32
        %get3A_365 = arith.index_cast %add3A_364 : i32 to index
        %get3A_366 = arith.constant 32 : index
        %get3A_367 = tpu.vector_load %arg6[%get3A_365, %get3A_366] {strides = array<i32>} : memref<128x128xf32, #tpu.memory_space<vmem>>, vector<1x16xf32>,
        %get3A_368 = vector.shape_cast %get3A_367 : vector<1x16xf32> to vector<16xf32>
        %max3A_369 = arith.maximumf %max3A_360, %get3A_368 : vector<16xf32>
        %mul3A_370 = arith.constant 16 : i32
        %mul3A_371 = arith.muli %scan3A_28, %mul3A_370 : i32
        %add3A_372 = arith.constant 6 : i32
        %add3A_373 = arith.addi %mul3A_371, %add3A_372 : i32
        %get3A_374 = arith.index_cast %add3A_373 : i32 to index
        %get3A_375 = arith.constant 32 : index
        %get3A_376 = tpu.vector_load %arg6[%get3A_374, %get3A_375] {strides = array<i32>} : memref<128x128xf32, #tpu.memory_space<vmem>>, vector<1x16xf32>,
        %get3A_377 = vector.shape_cast %get3A_376 : vector<1x16xf32> to vector<16xf32>
        %max3A_378 = arith.maximumf %max3A_369, %get3A_377 : vector<16xf32>
        %mul3A_379 = arith.constant 16 : i32
        %mul3A_380 = arith.muli %scan3A_28, %mul3A_379 : i32
        %add3A_381 = arith.constant 7 : i32
        %add3A_382 = arith.addi %mul3A_380, %add3A_381 : i32
        %get3A_383 = arith.index_cast %add3A_382 : i32 to index
        %get3A_384 = arith.constant 32 : index
        %get3A_385 = tpu.vector_load %arg6[%get3A_383, %get3A_384] {strides = array<i32>} : memref<128x128xf32, #tpu.memory_space<vmem>>, vector<1x16xf32>,
        %get3A_386 = vector.shape_cast %get3A_385 : vector<1x16xf32> to vector<16xf32>
        %max3A_387 = arith.maximumf %max3A_378, %get3A_386 : vector<16xf32>
        %mul3A_388 = arith.constant 16 : i32
        %mul3A_389 = arith.muli %scan3A_28, %mul3A_388 : i32
        %add3A_390 = arith.constant 8 : i32
        %add3A_391 = arith.addi %mul3A_389, %add3A_390 : i32
        %get3A_392 = arith.index_cast %add3A_391 : i32 to index
        %get3A_393 = arith.constant 32 : index
        %get3A_394 = tpu.vector_load %arg6[%get3A_392, %get3A_393] {strides = array<i32>} : memref<128x128xf32, #tpu.memory_space<vmem>>, vector<1x16xf32>,
        %get3A_395 = vector.shape_cast %get3A_394 : vector<1x16xf32> to vector<16xf32>
        %max3A_396 = arith.maximumf %max3A_387, %get3A_395 : vector<16xf32>
        %mul3A_397 = arith.constant 16 : i32
        %mul3A_398 = arith.muli %scan3A_28, %mul3A_397 : i32
        %add3A_399 = arith.constant 9 : i32
        %add3A_400 = arith.addi %mul3A_398, %add3A_399 : i32
        %get3A_401 = arith.index_cast %add3A_400 : i32 to index
        %get3A_402 = arith.constant 32 : index
        %get3A_403 = tpu.vector_load %arg6[%get3A_401, %get3A_402] {strides = array<i32>} : memref<128x128xf32, #tpu.memory_space<vmem>>, vector<1x16xf32>,
        %get3A_404 = vector.shape_cast %get3A_403 : vector<1x16xf32> to vector<16xf32>
        %max3A_405 = arith.maximumf %max3A_396, %get3A_404 : vector<16xf32>
        %mul3A_406 = arith.constant 16 : i32
        %mul3A_407 = arith.muli %scan3A_28, %mul3A_406 : i32
        %add3A_408 = arith.constant 10 : i32
        %add3A_409 = arith.addi %mul3A_407, %add3A_408 : i32
        %get3A_410 = arith.index_cast %add3A_409 : i32 to index
        %get3A_411 = arith.constant 32 : index
        %get3A_412 = tpu.vector_load %arg6[%get3A_410, %get3A_411] {strides = array<i32>} : memref<128x128xf32, #tpu.memory_space<vmem>>, vector<1x16xf32>,
        %get3A_413 = vector.shape_cast %get3A_412 : vector<1x16xf32> to vector<16xf32>
        %max3A_414 = arith.maximumf %max3A_405, %get3A_413 : vector<16xf32>
        %mul3A_415 = arith.constant 16 : i32
        %mul3A_416 = arith.muli %scan3A_28, %mul3A_415 : i32
        %add3A_417 = arith.constant 11 : i32
        %add3A_418 = arith.addi %mul3A_416, %add3A_417 : i32
        %get3A_419 = arith.index_cast %add3A_418 : i32 to index
        %get3A_420 = arith.constant 32 : index
        %get3A_421 = tpu.vector_load %arg6[%get3A_419, %get3A_420] {strides = array<i32>} : memref<128x128xf32, #tpu.memory_space<vmem>>, vector<1x16xf32>,
        %get3A_422 = vector.shape_cast %get3A_421 : vector<1x16xf32> to vector<16xf32>
        %max3A_423 = arith.maximumf %max3A_414, %get3A_422 : vector<16xf32>
        %mul3A_424 = arith.constant 16 : i32
        %mul3A_425 = arith.muli %scan3A_28, %mul3A_424 : i32
        %add3A_426 = arith.constant 12 : i32
        %add3A_427 = arith.addi %mul3A_425, %add3A_426 : i32
        %get3A_428 = arith.index_cast %add3A_427 : i32 to index
        %get3A_429 = arith.constant 32 : index
        %get3A_430 = tpu.vector_load %arg6[%get3A_428, %get3A_429] {strides = array<i32>} : memref<128x128xf32, #tpu.memory_space<vmem>>, vector<1x16xf32>,
        %get3A_431 = vector.shape_cast %get3A_430 : vector<1x16xf32> to vector<16xf32>
        %max3A_432 = arith.maximumf %max3A_423, %get3A_431 : vector<16xf32>
        %mul3A_433 = arith.constant 16 : i32
        %mul3A_434 = arith.muli %scan3A_28, %mul3A_433 : i32
        %add3A_435 = arith.constant 13 : i32
        %add3A_436 = arith.addi %mul3A_434, %add3A_435 : i32
        %get3A_437 = arith.index_cast %add3A_436 : i32 to index
        %get3A_438 = arith.constant 32 : index
        %get3A_439 = tpu.vector_load %arg6[%get3A_437, %get3A_438] {strides = array<i32>} : memref<128x128xf32, #tpu.memory_space<vmem>>, vector<1x16xf32>,
        %get3A_440 = vector.shape_cast %get3A_439 : vector<1x16xf32> to vector<16xf32>
        %max3A_441 = arith.maximumf %max3A_432, %get3A_440 : vector<16xf32>
        %mul3A_442 = arith.constant 16 : i32
        %mul3A_443 = arith.muli %scan3A_28, %mul3A_442 : i32
        %add3A_444 = arith.constant 14 : i32
        %add3A_445 = arith.addi %mul3A_443, %add3A_444 : i32
        %get3A_446 = arith.index_cast %add3A_445 : i32 to index
        %get3A_447 = arith.constant 32 : index
        %get3A_448 = tpu.vector_load %arg6[%get3A_446, %get3A_447] {strides = array<i32>} : memref<128x128xf32, #tpu.memory_space<vmem>>, vector<1x16xf32>,
        %get3A_449 = vector.shape_cast %get3A_448 : vector<1x16xf32> to vector<16xf32>
        %max3A_450 = arith.maximumf %max3A_441, %get3A_449 : vector<16xf32>
        %mul3A_451 = arith.constant 16 : i32
        %mul3A_452 = arith.muli %scan3A_28, %mul3A_451 : i32
        %add3A_453 = arith.constant 15 : i32
        %add3A_454 = arith.addi %mul3A_452, %add3A_453 : i32
        %get3A_455 = arith.index_cast %add3A_454 : i32 to index
        %get3A_456 = arith.constant 32 : index
        %get3A_457 = tpu.vector_load %arg6[%get3A_455, %get3A_456] {strides = array<i32>} : memref<128x128xf32, #tpu.memory_space<vmem>>, vector<1x16xf32>,
        %get3A_458 = vector.shape_cast %get3A_457 : vector<1x16xf32> to vector<16xf32>
        %max3A_459 = arith.maximumf %max3A_450, %get3A_458 : vector<16xf32>
        %swap3A_460 = arith.index_cast %scan3A_28 : i32 to index
        %swap3A_461 = arith.constant 32 : index
        %swap3A_462 = tpu.vector_load %arg7[%swap3A_460, %swap3A_461] {strides = array<i32>} : memref<8x128xf32, #tpu.memory_space<vmem>>, vector<1x16xf32>,
        %swap3A_463 = vector.shape_cast %swap3A_462 : vector<1x16xf32> to vector<16xf32>
        %swap3A_464 = vector.shape_cast %max3A_459 : vector<16xf32> to vector<1x16xf32>
        tpu.vector_store %arg7[%swap3A_460, %swap3A_461], %swap3A_464 {strides = array<i32>} : memref<8x128xf32, #tpu.memory_space<vmem>>, vector<1x16xf32>,
        %mul3A_465 = arith.constant 16 : i32
        %mul3A_466 = arith.muli %scan3A_28, %mul3A_465 : i32
        %get3A_467 = arith.index_cast %mul3A_466 : i32 to index
        %get3A_468 = arith.constant 48 : index
        %get3A_469 = tpu.vector_load %arg6[%get3A_467, %get3A_468] {strides = array<i32>} : memref<128x128xf32, #tpu.memory_space<vmem>>, vector<1x16xf32>,
        %get3A_470 = vector.shape_cast %get3A_469 : vector<1x16xf32> to vector<16xf32>
        %mul3A_471 = arith.constant 16 : i32
        %mul3A_472 = arith.muli %scan3A_28, %mul3A_471 : i32
        %add3A_473 = arith.constant 1 : i32
        %add3A_474 = arith.addi %mul3A_472, %add3A_473 : i32
        %get3A_475 = arith.index_cast %add3A_474 : i32 to index
        %get3A_476 = arith.constant 48 : index
        %get3A_477 = tpu.vector_load %arg6[%get3A_475, %get3A_476] {strides = array<i32>} : memref<128x128xf32, #tpu.memory_space<vmem>>, vector<1x16xf32>,
        %get3A_478 = vector.shape_cast %get3A_477 : vector<1x16xf32> to vector<16xf32>
        %max3A_479 = arith.maximumf %get3A_470, %get3A_478 : vector<16xf32>
        %mul3A_480 = arith.constant 16 : i32
        %mul3A_481 = arith.muli %scan3A_28, %mul3A_480 : i32
        %add3A_482 = arith.constant 2 : i32
        %add3A_483 = arith.addi %mul3A_481, %add3A_482 : i32
        %get3A_484 = arith.index_cast %add3A_483 : i32 to index
        %get3A_485 = arith.constant 48 : index
        %get3A_486 = tpu.vector_load %arg6[%get3A_484, %get3A_485] {strides = array<i32>} : memref<128x128xf32, #tpu.memory_space<vmem>>, vector<1x16xf32>,
        %get3A_487 = vector.shape_cast %get3A_486 : vector<1x16xf32> to vector<16xf32>
        %max3A_488 = arith.maximumf %max3A_479, %get3A_487 : vector<16xf32>
        %mul3A_489 = arith.constant 16 : i32
        %mul3A_490 = arith.muli %scan3A_28, %mul3A_489 : i32
        %add3A_491 = arith.constant 3 : i32
        %add3A_492 = arith.addi %mul3A_490, %add3A_491 : i32
        %get3A_493 = arith.index_cast %add3A_492 : i32 to index
        %get3A_494 = arith.constant 48 : index
        %get3A_495 = tpu.vector_load %arg6[%get3A_493, %get3A_494] {strides = array<i32>} : memref<128x128xf32, #tpu.memory_space<vmem>>, vector<1x16xf32>,
        %get3A_496 = vector.shape_cast %get3A_495 : vector<1x16xf32> to vector<16xf32>
        %max3A_497 = arith.maximumf %max3A_488, %get3A_496 : vector<16xf32>
        %mul3A_498 = arith.constant 16 : i32
        %mul3A_499 = arith.muli %scan3A_28, %mul3A_498 : i32
        %add3A_500 = arith.constant 4 : i32
        %add3A_501 = arith.addi %mul3A_499, %add3A_500 : i32
        %get3A_502 = arith.index_cast %add3A_501 : i32 to index
        %get3A_503 = arith.constant 48 : index
        %get3A_504 = tpu.vector_load %arg6[%get3A_502, %get3A_503] {strides = array<i32>} : memref<128x128xf32, #tpu.memory_space<vmem>>, vector<1x16xf32>,
        %get3A_505 = vector.shape_cast %get3A_504 : vector<1x16xf32> to vector<16xf32>
        %max3A_506 = arith.maximumf %max3A_497, %get3A_505 : vector<16xf32>
        %mul3A_507 = arith.constant 16 : i32
        %mul3A_508 = arith.muli %scan3A_28, %mul3A_507 : i32
        %add3A_509 = arith.constant 5 : i32
        %add3A_510 = arith.addi %mul3A_508, %add3A_509 : i32
        %get3A_511 = arith.index_cast %add3A_510 : i32 to index
        %get3A_512 = arith.constant 48 : index
        %get3A_513 = tpu.vector_load %arg6[%get3A_511, %get3A_512] {strides = array<i32>} : memref<128x128xf32, #tpu.memory_space<vmem>>, vector<1x16xf32>,
        %get3A_514 = vector.shape_cast %get3A_513 : vector<1x16xf32> to vector<16xf32>
        %max3A_515 = arith.maximumf %max3A_506, %get3A_514 : vector<16xf32>
        %mul3A_516 = arith.constant 16 : i32
        %mul3A_517 = arith.muli %scan3A_28, %mul3A_516 : i32
        %add3A_518 = arith.constant 6 : i32
        %add3A_519 = arith.addi %mul3A_517, %add3A_518 : i32
        %get3A_520 = arith.index_cast %add3A_519 : i32 to index
        %get3A_521 = arith.constant 48 : index
        %get3A_522 = tpu.vector_load %arg6[%get3A_520, %get3A_521] {strides = array<i32>} : memref<128x128xf32, #tpu.memory_space<vmem>>, vector<1x16xf32>,
        %get3A_523 = vector.shape_cast %get3A_522 : vector<1x16xf32> to vector<16xf32>
        %max3A_524 = arith.maximumf %max3A_515, %get3A_523 : vector<16xf32>
        %mul3A_525 = arith.constant 16 : i32
        %mul3A_526 = arith.muli %scan3A_28, %mul3A_525 : i32
        %add3A_527 = arith.constant 7 : i32
        %add3A_528 = arith.addi %mul3A_526, %add3A_527 : i32
        %get3A_529 = arith.index_cast %add3A_528 : i32 to index
        %get3A_530 = arith.constant 48 : index
        %get3A_531 = tpu.vector_load %arg6[%get3A_529, %get3A_530] {strides = array<i32>} : memref<128x128xf32, #tpu.memory_space<vmem>>, vector<1x16xf32>,
        %get3A_532 = vector.shape_cast %get3A_531 : vector<1x16xf32> to vector<16xf32>
        %max3A_533 = arith.maximumf %max3A_524, %get3A_532 : vector<16xf32>
        %mul3A_534 = arith.constant 16 : i32
        %mul3A_535 = arith.muli %scan3A_28, %mul3A_534 : i32
        %add3A_536 = arith.constant 8 : i32
        %add3A_537 = arith.addi %mul3A_535, %add3A_536 : i32
        %get3A_538 = arith.index_cast %add3A_537 : i32 to index
        %get3A_539 = arith.constant 48 : index
        %get3A_540 = tpu.vector_load %arg6[%get3A_538, %get3A_539] {strides = array<i32>} : memref<128x128xf32, #tpu.memory_space<vmem>>, vector<1x16xf32>,
        %get3A_541 = vector.shape_cast %get3A_540 : vector<1x16xf32> to vector<16xf32>
        %max3A_542 = arith.maximumf %max3A_533, %get3A_541 : vector<16xf32>
        %mul3A_543 = arith.constant 16 : i32
        %mul3A_544 = arith.muli %scan3A_28, %mul3A_543 : i32
        %add3A_545 = arith.constant 9 : i32
        %add3A_546 = arith.addi %mul3A_544, %add3A_545 : i32
        %get3A_547 = arith.index_cast %add3A_546 : i32 to index
        %get3A_548 = arith.constant 48 : index
        %get3A_549 = tpu.vector_load %arg6[%get3A_547, %get3A_548] {strides = array<i32>} : memref<128x128xf32, #tpu.memory_space<vmem>>, vector<1x16xf32>,
        %get3A_550 = vector.shape_cast %get3A_549 : vector<1x16xf32> to vector<16xf32>
        %max3A_551 = arith.maximumf %max3A_542, %get3A_550 : vector<16xf32>
        %mul3A_552 = arith.constant 16 : i32
        %mul3A_553 = arith.muli %scan3A_28, %mul3A_552 : i32
        %add3A_554 = arith.constant 10 : i32
        %add3A_555 = arith.addi %mul3A_553, %add3A_554 : i32
        %get3A_556 = arith.index_cast %add3A_555 : i32 to index
        %get3A_557 = arith.constant 48 : index
        %get3A_558 = tpu.vector_load %arg6[%get3A_556, %get3A_557] {strides = array<i32>} : memref<128x128xf32, #tpu.memory_space<vmem>>, vector<1x16xf32>,
        %get3A_559 = vector.shape_cast %get3A_558 : vector<1x16xf32> to vector<16xf32>
        %max3A_560 = arith.maximumf %max3A_551, %get3A_559 : vector<16xf32>
        %mul3A_561 = arith.constant 16 : i32
        %mul3A_562 = arith.muli %scan3A_28, %mul3A_561 : i32
        %add3A_563 = arith.constant 11 : i32
        %add3A_564 = arith.addi %mul3A_562, %add3A_563 : i32
        %get3A_565 = arith.index_cast %add3A_564 : i32 to index
        %get3A_566 = arith.constant 48 : index
        %get3A_567 = tpu.vector_load %arg6[%get3A_565, %get3A_566] {strides = array<i32>} : memref<128x128xf32, #tpu.memory_space<vmem>>, vector<1x16xf32>,
        %get3A_568 = vector.shape_cast %get3A_567 : vector<1x16xf32> to vector<16xf32>
        %max3A_569 = arith.maximumf %max3A_560, %get3A_568 : vector<16xf32>
        %mul3A_570 = arith.constant 16 : i32
        %mul3A_571 = arith.muli %scan3A_28, %mul3A_570 : i32
        %add3A_572 = arith.constant 12 : i32
        %add3A_573 = arith.addi %mul3A_571, %add3A_572 : i32
        %get3A_574 = arith.index_cast %add3A_573 : i32 to index
        %get3A_575 = arith.constant 48 : index
        %get3A_576 = tpu.vector_load %arg6[%get3A_574, %get3A_575] {strides = array<i32>} : memref<128x128xf32, #tpu.memory_space<vmem>>, vector<1x16xf32>,
        %get3A_577 = vector.shape_cast %get3A_576 : vector<1x16xf32> to vector<16xf32>
        %max3A_578 = arith.maximumf %max3A_569, %get3A_577 : vector<16xf32>
        %mul3A_579 = arith.constant 16 : i32
        %mul3A_580 = arith.muli %scan3A_28, %mul3A_579 : i32
        %add3A_581 = arith.constant 13 : i32
        %add3A_582 = arith.addi %mul3A_580, %add3A_581 : i32
        %get3A_583 = arith.index_cast %add3A_582 : i32 to index
        %get3A_584 = arith.constant 48 : index
        %get3A_585 = tpu.vector_load %arg6[%get3A_583, %get3A_584] {strides = array<i32>} : memref<128x128xf32, #tpu.memory_space<vmem>>, vector<1x16xf32>,
        %get3A_586 = vector.shape_cast %get3A_585 : vector<1x16xf32> to vector<16xf32>
        %max3A_587 = arith.maximumf %max3A_578, %get3A_586 : vector<16xf32>
        %mul3A_588 = arith.constant 16 : i32
        %mul3A_589 = arith.muli %scan3A_28, %mul3A_588 : i32
        %add3A_590 = arith.constant 14 : i32
        %add3A_591 = arith.addi %mul3A_589, %add3A_590 : i32
        %get3A_592 = arith.index_cast %add3A_591 : i32 to index
        %get3A_593 = arith.constant 48 : index
        %get3A_594 = tpu.vector_load %arg6[%get3A_592, %get3A_593] {strides = array<i32>} : memref<128x128xf32, #tpu.memory_space<vmem>>, vector<1x16xf32>,
        %get3A_595 = vector.shape_cast %get3A_594 : vector<1x16xf32> to vector<16xf32>
        %max3A_596 = arith.maximumf %max3A_587, %get3A_595 : vector<16xf32>
        %mul3A_597 = arith.constant 16 : i32
        %mul3A_598 = arith.muli %scan3A_28, %mul3A_597 : i32
        %add3A_599 = arith.constant 15 : i32
        %add3A_600 = arith.addi %mul3A_598, %add3A_599 : i32
        %get3A_601 = arith.index_cast %add3A_600 : i32 to index
        %get3A_602 = arith.constant 48 : index
        %get3A_603 = tpu.vector_load %arg6[%get3A_601, %get3A_602] {strides = array<i32>} : memref<128x128xf32, #tpu.memory_space<vmem>>, vector<1x16xf32>,
        %get3A_604 = vector.shape_cast %get3A_603 : vector<1x16xf32> to vector<16xf32>
        %max3A_605 = arith.maximumf %max3A_596, %get3A_604 : vector<16xf32>
        %swap3A_606 = arith.index_cast %scan3A_28 : i32 to index
        %swap3A_607 = arith.constant 48 : index
        %swap3A_608 = tpu.vector_load %arg7[%swap3A_606, %swap3A_607] {strides = array<i32>} : memref<8x128xf32, #tpu.memory_space<vmem>>, vector<1x16xf32>,
        %swap3A_609 = vector.shape_cast %swap3A_608 : vector<1x16xf32> to vector<16xf32>
        %swap3A_610 = vector.shape_cast %max3A_605 : vector<16xf32> to vector<1x16xf32>
        tpu.vector_store %arg7[%swap3A_606, %swap3A_607], %swap3A_610 {strides = array<i32>} : memref<8x128xf32, #tpu.memory_space<vmem>>, vector<1x16xf32>,
        %mul3A_611 = arith.constant 16 : i32
        %mul3A_612 = arith.muli %scan3A_28, %mul3A_611 : i32
        %get3A_613 = arith.index_cast %mul3A_612 : i32 to index
        %get3A_614 = arith.constant 64 : index
        %get3A_615 = tpu.vector_load %arg6[%get3A_613, %get3A_614] {strides = array<i32>} : memref<128x128xf32, #tpu.memory_space<vmem>>, vector<1x16xf32>,
        %get3A_616 = vector.shape_cast %get3A_615 : vector<1x16xf32> to vector<16xf32>
        %mul3A_617 = arith.constant 16 : i32
        %mul3A_618 = arith.muli %scan3A_28, %mul3A_617 : i32
        %add3A_619 = arith.constant 1 : i32
        %add3A_620 = arith.addi %mul3A_618, %add3A_619 : i32
        %get3A_621 = arith.index_cast %add3A_620 : i32 to index
        %get3A_622 = arith.constant 64 : index
        %get3A_623 = tpu.vector_load %arg6[%get3A_621, %get3A_622] {strides = array<i32>} : memref<128x128xf32, #tpu.memory_space<vmem>>, vector<1x16xf32>,
        %get3A_624 = vector.shape_cast %get3A_623 : vector<1x16xf32> to vector<16xf32>
        %max3A_625 = arith.maximumf %get3A_616, %get3A_624 : vector<16xf32>
        %mul3A_626 = arith.constant 16 : i32
        %mul3A_627 = arith.muli %scan3A_28, %mul3A_626 : i32
        %add3A_628 = arith.constant 2 : i32
        %add3A_629 = arith.addi %mul3A_627, %add3A_628 : i32
        %get3A_630 = arith.index_cast %add3A_629 : i32 to index
        %get3A_631 = arith.constant 64 : index
        %get3A_632 = tpu.vector_load %arg6[%get3A_630, %get3A_631] {strides = array<i32>} : memref<128x128xf32, #tpu.memory_space<vmem>>, vector<1x16xf32>,
        %get3A_633 = vector.shape_cast %get3A_632 : vector<1x16xf32> to vector<16xf32>
        %max3A_634 = arith.maximumf %max3A_625, %get3A_633 : vector<16xf32>
        %mul3A_635 = arith.constant 16 : i32
        %mul3A_636 = arith.muli %scan3A_28, %mul3A_635 : i32
        %add3A_637 = arith.constant 3 : i32
        %add3A_638 = arith.addi %mul3A_636, %add3A_637 : i32
        %get3A_639 = arith.index_cast %add3A_638 : i32 to index
        %get3A_640 = arith.constant 64 : index
        %get3A_641 = tpu.vector_load %arg6[%get3A_639, %get3A_640] {strides = array<i32>} : memref<128x128xf32, #tpu.memory_space<vmem>>, vector<1x16xf32>,
        %get3A_642 = vector.shape_cast %get3A_641 : vector<1x16xf32> to vector<16xf32>
        %max3A_643 = arith.maximumf %max3A_634, %get3A_642 : vector<16xf32>
        %mul3A_644 = arith.constant 16 : i32
        %mul3A_645 = arith.muli %scan3A_28, %mul3A_644 : i32
        %add3A_646 = arith.constant 4 : i32
        %add3A_647 = arith.addi %mul3A_645, %add3A_646 : i32
        %get3A_648 = arith.index_cast %add3A_647 : i32 to index
        %get3A_649 = arith.constant 64 : index
        %get3A_650 = tpu.vector_load %arg6[%get3A_648, %get3A_649] {strides = array<i32>} : memref<128x128xf32, #tpu.memory_space<vmem>>, vector<1x16xf32>,
        %get3A_651 = vector.shape_cast %get3A_650 : vector<1x16xf32> to vector<16xf32>
        %max3A_652 = arith.maximumf %max3A_643, %get3A_651 : vector<16xf32>
        %mul3A_653 = arith.constant 16 : i32
        %mul3A_654 = arith.muli %scan3A_28, %mul3A_653 : i32
        %add3A_655 = arith.constant 5 : i32
        %add3A_656 = arith.addi %mul3A_654, %add3A_655 : i32
        %get3A_657 = arith.index_cast %add3A_656 : i32 to index
        %get3A_658 = arith.constant 64 : index
        %get3A_659 = tpu.vector_load %arg6[%get3A_657, %get3A_658] {strides = array<i32>} : memref<128x128xf32, #tpu.memory_space<vmem>>, vector<1x16xf32>,
        %get3A_660 = vector.shape_cast %get3A_659 : vector<1x16xf32> to vector<16xf32>
        %max3A_661 = arith.maximumf %max3A_652, %get3A_660 : vector<16xf32>
        %mul3A_662 = arith.constant 16 : i32
        %mul3A_663 = arith.muli %scan3A_28, %mul3A_662 : i32
        %add3A_664 = arith.constant 6 : i32
        %add3A_665 = arith.addi %mul3A_663, %add3A_664 : i32
        %get3A_666 = arith.index_cast %add3A_665 : i32 to index
        %get3A_667 = arith.constant 64 : index
        %get3A_668 = tpu.vector_load %arg6[%get3A_666, %get3A_667] {strides = array<i32>} : memref<128x128xf32, #tpu.memory_space<vmem>>, vector<1x16xf32>,
        %get3A_669 = vector.shape_cast %get3A_668 : vector<1x16xf32> to vector<16xf32>
        %max3A_670 = arith.maximumf %max3A_661, %get3A_669 : vector<16xf32>
        %mul3A_671 = arith.constant 16 : i32
        %mul3A_672 = arith.muli %scan3A_28, %mul3A_671 : i32
        %add3A_673 = arith.constant 7 : i32
        %add3A_674 = arith.addi %mul3A_672, %add3A_673 : i32
        %get3A_675 = arith.index_cast %add3A_674 : i32 to index
        %get3A_676 = arith.constant 64 : index
        %get3A_677 = tpu.vector_load %arg6[%get3A_675, %get3A_676] {strides = array<i32>} : memref<128x128xf32, #tpu.memory_space<vmem>>, vector<1x16xf32>,
        %get3A_678 = vector.shape_cast %get3A_677 : vector<1x16xf32> to vector<16xf32>
        %max3A_679 = arith.maximumf %max3A_670, %get3A_678 : vector<16xf32>
        %mul3A_680 = arith.constant 16 : i32
        %mul3A_681 = arith.muli %scan3A_28, %mul3A_680 : i32
        %add3A_682 = arith.constant 8 : i32
        %add3A_683 = arith.addi %mul3A_681, %add3A_682 : i32
        %get3A_684 = arith.index_cast %add3A_683 : i32 to index
        %get3A_685 = arith.constant 64 : index
        %get3A_686 = tpu.vector_load %arg6[%get3A_684, %get3A_685] {strides = array<i32>} : memref<128x128xf32, #tpu.memory_space<vmem>>, vector<1x16xf32>,
        %get3A_687 = vector.shape_cast %get3A_686 : vector<1x16xf32> to vector<16xf32>
        %max3A_688 = arith.maximumf %max3A_679, %get3A_687 : vector<16xf32>
        %mul3A_689 = arith.constant 16 : i32
        %mul3A_690 = arith.muli %scan3A_28, %mul3A_689 : i32
        %add3A_691 = arith.constant 9 : i32
        %add3A_692 = arith.addi %mul3A_690, %add3A_691 : i32
        %get3A_693 = arith.index_cast %add3A_692 : i32 to index
        %get3A_694 = arith.constant 64 : index
        %get3A_695 = tpu.vector_load %arg6[%get3A_693, %get3A_694] {strides = array<i32>} : memref<128x128xf32, #tpu.memory_space<vmem>>, vector<1x16xf32>,
        %get3A_696 = vector.shape_cast %get3A_695 : vector<1x16xf32> to vector<16xf32>
        %max3A_697 = arith.maximumf %max3A_688, %get3A_696 : vector<16xf32>
        %mul3A_698 = arith.constant 16 : i32
        %mul3A_699 = arith.muli %scan3A_28, %mul3A_698 : i32
        %add3A_700 = arith.constant 10 : i32
        %add3A_701 = arith.addi %mul3A_699, %add3A_700 : i32
        %get3A_702 = arith.index_cast %add3A_701 : i32 to index
        %get3A_703 = arith.constant 64 : index
        %get3A_704 = tpu.vector_load %arg6[%get3A_702, %get3A_703] {strides = array<i32>} : memref<128x128xf32, #tpu.memory_space<vmem>>, vector<1x16xf32>,
        %get3A_705 = vector.shape_cast %get3A_704 : vector<1x16xf32> to vector<16xf32>
        %max3A_706 = arith.maximumf %max3A_697, %get3A_705 : vector<16xf32>
        %mul3A_707 = arith.constant 16 : i32
        %mul3A_708 = arith.muli %scan3A_28, %mul3A_707 : i32
        %add3A_709 = arith.constant 11 : i32
        %add3A_710 = arith.addi %mul3A_708, %add3A_709 : i32
        %get3A_711 = arith.index_cast %add3A_710 : i32 to index
        %get3A_712 = arith.constant 64 : index
        %get3A_713 = tpu.vector_load %arg6[%get3A_711, %get3A_712] {strides = array<i32>} : memref<128x128xf32, #tpu.memory_space<vmem>>, vector<1x16xf32>,
        %get3A_714 = vector.shape_cast %get3A_713 : vector<1x16xf32> to vector<16xf32>
        %max3A_715 = arith.maximumf %max3A_706, %get3A_714 : vector<16xf32>
        %mul3A_716 = arith.constant 16 : i32
        %mul3A_717 = arith.muli %scan3A_28, %mul3A_716 : i32
        %add3A_718 = arith.constant 12 : i32
        %add3A_719 = arith.addi %mul3A_717, %add3A_718 : i32
        %get3A_720 = arith.index_cast %add3A_719 : i32 to index
        %get3A_721 = arith.constant 64 : index
        %get3A_722 = tpu.vector_load %arg6[%get3A_720, %get3A_721] {strides = array<i32>} : memref<128x128xf32, #tpu.memory_space<vmem>>, vector<1x16xf32>,
        %get3A_723 = vector.shape_cast %get3A_722 : vector<1x16xf32> to vector<16xf32>
        %max3A_724 = arith.maximumf %max3A_715, %get3A_723 : vector<16xf32>
        %mul3A_725 = arith.constant 16 : i32
        %mul3A_726 = arith.muli %scan3A_28, %mul3A_725 : i32
        %add3A_727 = arith.constant 13 : i32
        %add3A_728 = arith.addi %mul3A_726, %add3A_727 : i32
        %get3A_729 = arith.index_cast %add3A_728 : i32 to index
        %get3A_730 = arith.constant 64 : index
        %get3A_731 = tpu.vector_load %arg6[%get3A_729, %get3A_730] {strides = array<i32>} : memref<128x128xf32, #tpu.memory_space<vmem>>, vector<1x16xf32>,
        %get3A_732 = vector.shape_cast %get3A_731 : vector<1x16xf32> to vector<16xf32>
        %max3A_733 = arith.maximumf %max3A_724, %get3A_732 : vector<16xf32>
        %mul3A_734 = arith.constant 16 : i32
        %mul3A_735 = arith.muli %scan3A_28, %mul3A_734 : i32
        %add3A_736 = arith.constant 14 : i32
        %add3A_737 = arith.addi %mul3A_735, %add3A_736 : i32
        %get3A_738 = arith.index_cast %add3A_737 : i32 to index
        %get3A_739 = arith.constant 64 : index
        %get3A_740 = tpu.vector_load %arg6[%get3A_738, %get3A_739] {strides = array<i32>} : memref<128x128xf32, #tpu.memory_space<vmem>>, vector<1x16xf32>,
        %get3A_741 = vector.shape_cast %get3A_740 : vector<1x16xf32> to vector<16xf32>
        %max3A_742 = arith.maximumf %max3A_733, %get3A_741 : vector<16xf32>
        %mul3A_743 = arith.constant 16 : i32
        %mul3A_744 = arith.muli %scan3A_28, %mul3A_743 : i32
        %add3A_745 = arith.constant 15 : i32
        %add3A_746 = arith.addi %mul3A_744, %add3A_745 : i32
        %get3A_747 = arith.index_cast %add3A_746 : i32 to index
        %get3A_748 = arith.constant 64 : index
        %get3A_749 = tpu.vector_load %arg6[%get3A_747, %get3A_748] {strides = array<i32>} : memref<128x128xf32, #tpu.memory_space<vmem>>, vector<1x16xf32>,
        %get3A_750 = vector.shape_cast %get3A_749 : vector<1x16xf32> to vector<16xf32>
        %max3A_751 = arith.maximumf %max3A_742, %get3A_750 : vector<16xf32>
        %swap3A_752 = arith.index_cast %scan3A_28 : i32 to index
        %swap3A_753 = arith.constant 64 : index
        %swap3A_754 = tpu.vector_load %arg7[%swap3A_752, %swap3A_753] {strides = array<i32>} : memref<8x128xf32, #tpu.memory_space<vmem>>, vector<1x16xf32>,
        %swap3A_755 = vector.shape_cast %swap3A_754 : vector<1x16xf32> to vector<16xf32>
        %swap3A_756 = vector.shape_cast %max3A_751 : vector<16xf32> to vector<1x16xf32>
        tpu.vector_store %arg7[%swap3A_752, %swap3A_753], %swap3A_756 {strides = array<i32>} : memref<8x128xf32, #tpu.memory_space<vmem>>, vector<1x16xf32>,
        %mul3A_757 = arith.constant 16 : i32
        %mul3A_758 = arith.muli %scan3A_28, %mul3A_757 : i32
        %get3A_759 = arith.index_cast %mul3A_758 : i32 to index
        %get3A_760 = arith.constant 80 : index
        %get3A_761 = tpu.vector_load %arg6[%get3A_759, %get3A_760] {strides = array<i32>} : memref<128x128xf32, #tpu.memory_space<vmem>>, vector<1x16xf32>,
        %get3A_762 = vector.shape_cast %get3A_761 : vector<1x16xf32> to vector<16xf32>
        %mul3A_763 = arith.constant 16 : i32
        %mul3A_764 = arith.muli %scan3A_28, %mul3A_763 : i32
        %add3A_765 = arith.constant 1 : i32
        %add3A_766 = arith.addi %mul3A_764, %add3A_765 : i32
        %get3A_767 = arith.index_cast %add3A_766 : i32 to index
        %get3A_768 = arith.constant 80 : index
        %get3A_769 = tpu.vector_load %arg6[%get3A_767, %get3A_768] {strides = array<i32>} : memref<128x128xf32, #tpu.memory_space<vmem>>, vector<1x16xf32>,
        %get3A_770 = vector.shape_cast %get3A_769 : vector<1x16xf32> to vector<16xf32>
        %max3A_771 = arith.maximumf %get3A_762, %get3A_770 : vector<16xf32>
        %mul3A_772 = arith.constant 16 : i32
        %mul3A_773 = arith.muli %scan3A_28, %mul3A_772 : i32
        %add3A_774 = arith.constant 2 : i32
        %add3A_775 = arith.addi %mul3A_773, %add3A_774 : i32
        %get3A_776 = arith.index_cast %add3A_775 : i32 to index
        %get3A_777 = arith.constant 80 : index
        %get3A_778 = tpu.vector_load %arg6[%get3A_776, %get3A_777] {strides = array<i32>} : memref<128x128xf32, #tpu.memory_space<vmem>>, vector<1x16xf32>,
        %get3A_779 = vector.shape_cast %get3A_778 : vector<1x16xf32> to vector<16xf32>
        %max3A_780 = arith.maximumf %max3A_771, %get3A_779 : vector<16xf32>
        %mul3A_781 = arith.constant 16 : i32
        %mul3A_782 = arith.muli %scan3A_28, %mul3A_781 : i32
        %add3A_783 = arith.constant 3 : i32
        %add3A_784 = arith.addi %mul3A_782, %add3A_783 : i32
        %get3A_785 = arith.index_cast %add3A_784 : i32 to index
        %get3A_786 = arith.constant 80 : index
        %get3A_787 = tpu.vector_load %arg6[%get3A_785, %get3A_786] {strides = array<i32>} : memref<128x128xf32, #tpu.memory_space<vmem>>, vector<1x16xf32>,
        %get3A_788 = vector.shape_cast %get3A_787 : vector<1x16xf32> to vector<16xf32>
        %max3A_789 = arith.maximumf %max3A_780, %get3A_788 : vector<16xf32>
        %mul3A_790 = arith.constant 16 : i32
        %mul3A_791 = arith.muli %scan3A_28, %mul3A_790 : i32
        %add3A_792 = arith.constant 4 : i32
        %add3A_793 = arith.addi %mul3A_791, %add3A_792 : i32
        %get3A_794 = arith.index_cast %add3A_793 : i32 to index
        %get3A_795 = arith.constant 80 : index
        %get3A_796 = tpu.vector_load %arg6[%get3A_794, %get3A_795] {strides = array<i32>} : memref<128x128xf32, #tpu.memory_space<vmem>>, vector<1x16xf32>,
        %get3A_797 = vector.shape_cast %get3A_796 : vector<1x16xf32> to vector<16xf32>
        %max3A_798 = arith.maximumf %max3A_789, %get3A_797 : vector<16xf32>
        %mul3A_799 = arith.constant 16 : i32
        %mul3A_800 = arith.muli %scan3A_28, %mul3A_799 : i32
        %add3A_801 = arith.constant 5 : i32
        %add3A_802 = arith.addi %mul3A_800, %add3A_801 : i32
        %get3A_803 = arith.index_cast %add3A_802 : i32 to index
        %get3A_804 = arith.constant 80 : index
        %get3A_805 = tpu.vector_load %arg6[%get3A_803, %get3A_804] {strides = array<i32>} : memref<128x128xf32, #tpu.memory_space<vmem>>, vector<1x16xf32>,
        %get3A_806 = vector.shape_cast %get3A_805 : vector<1x16xf32> to vector<16xf32>
        %max3A_807 = arith.maximumf %max3A_798, %get3A_806 : vector<16xf32>
        %mul3A_808 = arith.constant 16 : i32
        %mul3A_809 = arith.muli %scan3A_28, %mul3A_808 : i32
        %add3A_810 = arith.constant 6 : i32
        %add3A_811 = arith.addi %mul3A_809, %add3A_810 : i32
        %get3A_812 = arith.index_cast %add3A_811 : i32 to index
        %get3A_813 = arith.constant 80 : index
        %get3A_814 = tpu.vector_load %arg6[%get3A_812, %get3A_813] {strides = array<i32>} : memref<128x128xf32, #tpu.memory_space<vmem>>, vector<1x16xf32>,
        %get3A_815 = vector.shape_cast %get3A_814 : vector<1x16xf32> to vector<16xf32>
        %max3A_816 = arith.maximumf %max3A_807, %get3A_815 : vector<16xf32>
        %mul3A_817 = arith.constant 16 : i32
        %mul3A_818 = arith.muli %scan3A_28, %mul3A_817 : i32
        %add3A_819 = arith.constant 7 : i32
        %add3A_820 = arith.addi %mul3A_818, %add3A_819 : i32
        %get3A_821 = arith.index_cast %add3A_820 : i32 to index
        %get3A_822 = arith.constant 80 : index
        %get3A_823 = tpu.vector_load %arg6[%get3A_821, %get3A_822] {strides = array<i32>} : memref<128x128xf32, #tpu.memory_space<vmem>>, vector<1x16xf32>,
        %get3A_824 = vector.shape_cast %get3A_823 : vector<1x16xf32> to vector<16xf32>
        %max3A_825 = arith.maximumf %max3A_816, %get3A_824 : vector<16xf32>
        %mul3A_826 = arith.constant 16 : i32
        %mul3A_827 = arith.muli %scan3A_28, %mul3A_826 : i32
        %add3A_828 = arith.constant 8 : i32
        %add3A_829 = arith.addi %mul3A_827, %add3A_828 : i32
        %get3A_830 = arith.index_cast %add3A_829 : i32 to index
        %get3A_831 = arith.constant 80 : index
        %get3A_832 = tpu.vector_load %arg6[%get3A_830, %get3A_831] {strides = array<i32>} : memref<128x128xf32, #tpu.memory_space<vmem>>, vector<1x16xf32>,
        %get3A_833 = vector.shape_cast %get3A_832 : vector<1x16xf32> to vector<16xf32>
        %max3A_834 = arith.maximumf %max3A_825, %get3A_833 : vector<16xf32>
        %mul3A_835 = arith.constant 16 : i32
        %mul3A_836 = arith.muli %scan3A_28, %mul3A_835 : i32
        %add3A_837 = arith.constant 9 : i32
        %add3A_838 = arith.addi %mul3A_836, %add3A_837 : i32
        %get3A_839 = arith.index_cast %add3A_838 : i32 to index
        %get3A_840 = arith.constant 80 : index
        %get3A_841 = tpu.vector_load %arg6[%get3A_839, %get3A_840] {strides = array<i32>} : memref<128x128xf32, #tpu.memory_space<vmem>>, vector<1x16xf32>,
        %get3A_842 = vector.shape_cast %get3A_841 : vector<1x16xf32> to vector<16xf32>
        %max3A_843 = arith.maximumf %max3A_834, %get3A_842 : vector<16xf32>
        %mul3A_844 = arith.constant 16 : i32
        %mul3A_845 = arith.muli %scan3A_28, %mul3A_844 : i32
        %add3A_846 = arith.constant 10 : i32
        %add3A_847 = arith.addi %mul3A_845, %add3A_846 : i32
        %get3A_848 = arith.index_cast %add3A_847 : i32 to index
        %get3A_849 = arith.constant 80 : index
        %get3A_850 = tpu.vector_load %arg6[%get3A_848, %get3A_849] {strides = array<i32>} : memref<128x128xf32, #tpu.memory_space<vmem>>, vector<1x16xf32>,
        %get3A_851 = vector.shape_cast %get3A_850 : vector<1x16xf32> to vector<16xf32>
        %max3A_852 = arith.maximumf %max3A_843, %get3A_851 : vector<16xf32>
        %mul3A_853 = arith.constant 16 : i32
        %mul3A_854 = arith.muli %scan3A_28, %mul3A_853 : i32
        %add3A_855 = arith.constant 11 : i32
        %add3A_856 = arith.addi %mul3A_854, %add3A_855 : i32
        %get3A_857 = arith.index_cast %add3A_856 : i32 to index
        %get3A_858 = arith.constant 80 : index
        %get3A_859 = tpu.vector_load %arg6[%get3A_857, %get3A_858] {strides = array<i32>} : memref<128x128xf32, #tpu.memory_space<vmem>>, vector<1x16xf32>,
        %get3A_860 = vector.shape_cast %get3A_859 : vector<1x16xf32> to vector<16xf32>
        %max3A_861 = arith.maximumf %max3A_852, %get3A_860 : vector<16xf32>
        %mul3A_862 = arith.constant 16 : i32
        %mul3A_863 = arith.muli %scan3A_28, %mul3A_862 : i32
        %add3A_864 = arith.constant 12 : i32
        %add3A_865 = arith.addi %mul3A_863, %add3A_864 : i32
        %get3A_866 = arith.index_cast %add3A_865 : i32 to index
        %get3A_867 = arith.constant 80 : index
        %get3A_868 = tpu.vector_load %arg6[%get3A_866, %get3A_867] {strides = array<i32>} : memref<128x128xf32, #tpu.memory_space<vmem>>, vector<1x16xf32>,
        %get3A_869 = vector.shape_cast %get3A_868 : vector<1x16xf32> to vector<16xf32>
        %max3A_870 = arith.maximumf %max3A_861, %get3A_869 : vector<16xf32>
        %mul3A_871 = arith.constant 16 : i32
        %mul3A_872 = arith.muli %scan3A_28, %mul3A_871 : i32
        %add3A_873 = arith.constant 13 : i32
        %add3A_874 = arith.addi %mul3A_872, %add3A_873 : i32
        %get3A_875 = arith.index_cast %add3A_874 : i32 to index
        %get3A_876 = arith.constant 80 : index
        %get3A_877 = tpu.vector_load %arg6[%get3A_875, %get3A_876] {strides = array<i32>} : memref<128x128xf32, #tpu.memory_space<vmem>>, vector<1x16xf32>,
        %get3A_878 = vector.shape_cast %get3A_877 : vector<1x16xf32> to vector<16xf32>
        %max3A_879 = arith.maximumf %max3A_870, %get3A_878 : vector<16xf32>
        %mul3A_880 = arith.constant 16 : i32
        %mul3A_881 = arith.muli %scan3A_28, %mul3A_880 : i32
        %add3A_882 = arith.constant 14 : i32
        %add3A_883 = arith.addi %mul3A_881, %add3A_882 : i32
        %get3A_884 = arith.index_cast %add3A_883 : i32 to index
        %get3A_885 = arith.constant 80 : index
        %get3A_886 = tpu.vector_load %arg6[%get3A_884, %get3A_885] {strides = array<i32>} : memref<128x128xf32, #tpu.memory_space<vmem>>, vector<1x16xf32>,
        %get3A_887 = vector.shape_cast %get3A_886 : vector<1x16xf32> to vector<16xf32>
        %max3A_888 = arith.maximumf %max3A_879, %get3A_887 : vector<16xf32>
        %mul3A_889 = arith.constant 16 : i32
        %mul3A_890 = arith.muli %scan3A_28, %mul3A_889 : i32
        %add3A_891 = arith.constant 15 : i32
        %add3A_892 = arith.addi %mul3A_890, %add3A_891 : i32
        %get3A_893 = arith.index_cast %add3A_892 : i32 to index
        %get3A_894 = arith.constant 80 : index
        %get3A_895 = tpu.vector_load %arg6[%get3A_893, %get3A_894] {strides = array<i32>} : memref<128x128xf32, #tpu.memory_space<vmem>>, vector<1x16xf32>,
        %get3A_896 = vector.shape_cast %get3A_895 : vector<1x16xf32> to vector<16xf32>
        %max3A_897 = arith.maximumf %max3A_888, %get3A_896 : vector<16xf32>
        %swap3A_898 = arith.index_cast %scan3A_28 : i32 to index
        %swap3A_899 = arith.constant 80 : index
        %swap3A_900 = tpu.vector_load %arg7[%swap3A_898, %swap3A_899] {strides = array<i32>} : memref<8x128xf32, #tpu.memory_space<vmem>>, vector<1x16xf32>,
        %swap3A_901 = vector.shape_cast %swap3A_900 : vector<1x16xf32> to vector<16xf32>
        %swap3A_902 = vector.shape_cast %max3A_897 : vector<16xf32> to vector<1x16xf32>
        tpu.vector_store %arg7[%swap3A_898, %swap3A_899], %swap3A_902 {strides = array<i32>} : memref<8x128xf32, #tpu.memory_space<vmem>>, vector<1x16xf32>,
        %mul3A_903 = arith.constant 16 : i32
        %mul3A_904 = arith.muli %scan3A_28, %mul3A_903 : i32
        %get3A_905 = arith.index_cast %mul3A_904 : i32 to index
        %get3A_906 = arith.constant 96 : index
        %get3A_907 = tpu.vector_load %arg6[%get3A_905, %get3A_906] {strides = array<i32>} : memref<128x128xf32, #tpu.memory_space<vmem>>, vector<1x16xf32>,
        %get3A_908 = vector.shape_cast %get3A_907 : vector<1x16xf32> to vector<16xf32>
        %mul3A_909 = arith.constant 16 : i32
        %mul3A_910 = arith.muli %scan3A_28, %mul3A_909 : i32
        %add3A_911 = arith.constant 1 : i32
        %add3A_912 = arith.addi %mul3A_910, %add3A_911 : i32
        %get3A_913 = arith.index_cast %add3A_912 : i32 to index
        %get3A_914 = arith.constant 96 : index
        %get3A_915 = tpu.vector_load %arg6[%get3A_913, %get3A_914] {strides = array<i32>} : memref<128x128xf32, #tpu.memory_space<vmem>>, vector<1x16xf32>,
        %get3A_916 = vector.shape_cast %get3A_915 : vector<1x16xf32> to vector<16xf32>
        %max3A_917 = arith.maximumf %get3A_908, %get3A_916 : vector<16xf32>
        %mul3A_918 = arith.constant 16 : i32
        %mul3A_919 = arith.muli %scan3A_28, %mul3A_918 : i32
        %add3A_920 = arith.constant 2 : i32
        %add3A_921 = arith.addi %mul3A_919, %add3A_920 : i32
        %get3A_922 = arith.index_cast %add3A_921 : i32 to index
        %get3A_923 = arith.constant 96 : index
        %get3A_924 = tpu.vector_load %arg6[%get3A_922, %get3A_923] {strides = array<i32>} : memref<128x128xf32, #tpu.memory_space<vmem>>, vector<1x16xf32>,
        %get3A_925 = vector.shape_cast %get3A_924 : vector<1x16xf32> to vector<16xf32>
        %max3A_926 = arith.maximumf %max3A_917, %get3A_925 : vector<16xf32>
        %mul3A_927 = arith.constant 16 : i32
        %mul3A_928 = arith.muli %scan3A_28, %mul3A_927 : i32
        %add3A_929 = arith.constant 3 : i32
        %add3A_930 = arith.addi %mul3A_928, %add3A_929 : i32
        %get3A_931 = arith.index_cast %add3A_930 : i32 to index
        %get3A_932 = arith.constant 96 : index
        %get3A_933 = tpu.vector_load %arg6[%get3A_931, %get3A_932] {strides = array<i32>} : memref<128x128xf32, #tpu.memory_space<vmem>>, vector<1x16xf32>,
        %get3A_934 = vector.shape_cast %get3A_933 : vector<1x16xf32> to vector<16xf32>
        %max3A_935 = arith.maximumf %max3A_926, %get3A_934 : vector<16xf32>
        %mul3A_936 = arith.constant 16 : i32
        %mul3A_937 = arith.muli %scan3A_28, %mul3A_936 : i32
        %add3A_938 = arith.constant 4 : i32
        %add3A_939 = arith.addi %mul3A_937, %add3A_938 : i32
        %get3A_940 = arith.index_cast %add3A_939 : i32 to index
        %get3A_941 = arith.constant 96 : index
        %get3A_942 = tpu.vector_load %arg6[%get3A_940, %get3A_941] {strides = array<i32>} : memref<128x128xf32, #tpu.memory_space<vmem>>, vector<1x16xf32>,
        %get3A_943 = vector.shape_cast %get3A_942 : vector<1x16xf32> to vector<16xf32>
        %max3A_944 = arith.maximumf %max3A_935, %get3A_943 : vector<16xf32>
        %mul3A_945 = arith.constant 16 : i32
        %mul3A_946 = arith.muli %scan3A_28, %mul3A_945 : i32
        %add3A_947 = arith.constant 5 : i32
        %add3A_948 = arith.addi %mul3A_946, %add3A_947 : i32
        %get3A_949 = arith.index_cast %add3A_948 : i32 to index
        %get3A_950 = arith.constant 96 : index
        %get3A_951 = tpu.vector_load %arg6[%get3A_949, %get3A_950] {strides = array<i32>} : memref<128x128xf32, #tpu.memory_space<vmem>>, vector<1x16xf32>,
        %get3A_952 = vector.shape_cast %get3A_951 : vector<1x16xf32> to vector<16xf32>
        %max3A_953 = arith.maximumf %max3A_944, %get3A_952 : vector<16xf32>
        %mul3A_954 = arith.constant 16 : i32
        %mul3A_955 = arith.muli %scan3A_28, %mul3A_954 : i32
        %add3A_956 = arith.constant 6 : i32
        %add3A_957 = arith.addi %mul3A_955, %add3A_956 : i32
        %get3A_958 = arith.index_cast %add3A_957 : i32 to index
        %get3A_959 = arith.constant 96 : index
        %get3A_960 = tpu.vector_load %arg6[%get3A_958, %get3A_959] {strides = array<i32>} : memref<128x128xf32, #tpu.memory_space<vmem>>, vector<1x16xf32>,
        %get3A_961 = vector.shape_cast %get3A_960 : vector<1x16xf32> to vector<16xf32>
        %max3A_962 = arith.maximumf %max3A_953, %get3A_961 : vector<16xf32>
        %mul3A_963 = arith.constant 16 : i32
        %mul3A_964 = arith.muli %scan3A_28, %mul3A_963 : i32
        %add3A_965 = arith.constant 7 : i32
        %add3A_966 = arith.addi %mul3A_964, %add3A_965 : i32
        %get3A_967 = arith.index_cast %add3A_966 : i32 to index
        %get3A_968 = arith.constant 96 : index
        %get3A_969 = tpu.vector_load %arg6[%get3A_967, %get3A_968] {strides = array<i32>} : memref<128x128xf32, #tpu.memory_space<vmem>>, vector<1x16xf32>,
        %get3A_970 = vector.shape_cast %get3A_969 : vector<1x16xf32> to vector<16xf32>
        %max3A_971 = arith.maximumf %max3A_962, %get3A_970 : vector<16xf32>
        %mul3A_972 = arith.constant 16 : i32
        %mul3A_973 = arith.muli %scan3A_28, %mul3A_972 : i32
        %add3A_974 = arith.constant 8 : i32
        %add3A_975 = arith.addi %mul3A_973, %add3A_974 : i32
        %get3A_976 = arith.index_cast %add3A_975 : i32 to index
        %get3A_977 = arith.constant 96 : index
        %get3A_978 = tpu.vector_load %arg6[%get3A_976, %get3A_977] {strides = array<i32>} : memref<128x128xf32, #tpu.memory_space<vmem>>, vector<1x16xf32>,
        %get3A_979 = vector.shape_cast %get3A_978 : vector<1x16xf32> to vector<16xf32>
        %max3A_980 = arith.maximumf %max3A_971, %get3A_979 : vector<16xf32>
        %mul3A_981 = arith.constant 16 : i32
        %mul3A_982 = arith.muli %scan3A_28, %mul3A_981 : i32
        %add3A_983 = arith.constant 9 : i32
        %add3A_984 = arith.addi %mul3A_982, %add3A_983 : i32
        %get3A_985 = arith.index_cast %add3A_984 : i32 to index
        %get3A_986 = arith.constant 96 : index
        %get3A_987 = tpu.vector_load %arg6[%get3A_985, %get3A_986] {strides = array<i32>} : memref<128x128xf32, #tpu.memory_space<vmem>>, vector<1x16xf32>,
        %get3A_988 = vector.shape_cast %get3A_987 : vector<1x16xf32> to vector<16xf32>
        %max3A_989 = arith.maximumf %max3A_980, %get3A_988 : vector<16xf32>
        %mul3A_990 = arith.constant 16 : i32
        %mul3A_991 = arith.muli %scan3A_28, %mul3A_990 : i32
        %add3A_992 = arith.constant 10 : i32
        %add3A_993 = arith.addi %mul3A_991, %add3A_992 : i32
        %get3A_994 = arith.index_cast %add3A_993 : i32 to index
        %get3A_995 = arith.constant 96 : index
        %get3A_996 = tpu.vector_load %arg6[%get3A_994, %get3A_995] {strides = array<i32>} : memref<128x128xf32, #tpu.memory_space<vmem>>, vector<1x16xf32>,
        %get3A_997 = vector.shape_cast %get3A_996 : vector<1x16xf32> to vector<16xf32>
        %max3A_998 = arith.maximumf %max3A_989, %get3A_997 : vector<16xf32>
        %mul3A_999 = arith.constant 16 : i32
        %mul3A_1000 = arith.muli %scan3A_28, %mul3A_999 : i32
        %add3A_1001 = arith.constant 11 : i32
        %add3A_1002 = arith.addi %mul3A_1000, %add3A_1001 : i32
        %get3A_1003 = arith.index_cast %add3A_1002 : i32 to index
        %get3A_1004 = arith.constant 96 : index
        %get3A_1005 = tpu.vector_load %arg6[%get3A_1003, %get3A_1004] {strides = array<i32>} : memref<128x128xf32, #tpu.memory_space<vmem>>, vector<1x16xf32>,
        %get3A_1006 = vector.shape_cast %get3A_1005 : vector<1x16xf32> to vector<16xf32>
        %max3A_1007 = arith.maximumf %max3A_998, %get3A_1006 : vector<16xf32>
        %mul3A_1008 = arith.constant 16 : i32
        %mul3A_1009 = arith.muli %scan3A_28, %mul3A_1008 : i32
        %add3A_1010 = arith.constant 12 : i32
        %add3A_1011 = arith.addi %mul3A_1009, %add3A_1010 : i32
        %get3A_1012 = arith.index_cast %add3A_1011 : i32 to index
        %get3A_1013 = arith.constant 96 : index
        %get3A_1014 = tpu.vector_load %arg6[%get3A_1012, %get3A_1013] {strides = array<i32>} : memref<128x128xf32, #tpu.memory_space<vmem>>, vector<1x16xf32>,
        %get3A_1015 = vector.shape_cast %get3A_1014 : vector<1x16xf32> to vector<16xf32>
        %max3A_1016 = arith.maximumf %max3A_1007, %get3A_1015 : vector<16xf32>
        %mul3A_1017 = arith.constant 16 : i32
        %mul3A_1018 = arith.muli %scan3A_28, %mul3A_1017 : i32
        %add3A_1019 = arith.constant 13 : i32
        %add3A_1020 = arith.addi %mul3A_1018, %add3A_1019 : i32
        %get3A_1021 = arith.index_cast %add3A_1020 : i32 to index
        %get3A_1022 = arith.constant 96 : index
        %get3A_1023 = tpu.vector_load %arg6[%get3A_1021, %get3A_1022] {strides = array<i32>} : memref<128x128xf32, #tpu.memory_space<vmem>>, vector<1x16xf32>,
        %get3A_1024 = vector.shape_cast %get3A_1023 : vector<1x16xf32> to vector<16xf32>
        %max3A_1025 = arith.maximumf %max3A_1016, %get3A_1024 : vector<16xf32>
        %mul3A_1026 = arith.constant 16 : i32
        %mul3A_1027 = arith.muli %scan3A_28, %mul3A_1026 : i32
        %add3A_1028 = arith.constant 14 : i32
        %add3A_1029 = arith.addi %mul3A_1027, %add3A_1028 : i32
        %get3A_1030 = arith.index_cast %add3A_1029 : i32 to index
        %get3A_1031 = arith.constant 96 : index
        %get3A_1032 = tpu.vector_load %arg6[%get3A_1030, %get3A_1031] {strides = array<i32>} : memref<128x128xf32, #tpu.memory_space<vmem>>, vector<1x16xf32>,
        %get3A_1033 = vector.shape_cast %get3A_1032 : vector<1x16xf32> to vector<16xf32>
        %max3A_1034 = arith.maximumf %max3A_1025, %get3A_1033 : vector<16xf32>
        %mul3A_1035 = arith.constant 16 : i32
        %mul3A_1036 = arith.muli %scan3A_28, %mul3A_1035 : i32
        %add3A_1037 = arith.constant 15 : i32
        %add3A_1038 = arith.addi %mul3A_1036, %add3A_1037 : i32
        %get3A_1039 = arith.index_cast %add3A_1038 : i32 to index
        %get3A_1040 = arith.constant 96 : index
        %get3A_1041 = tpu.vector_load %arg6[%get3A_1039, %get3A_1040] {strides = array<i32>} : memref<128x128xf32, #tpu.memory_space<vmem>>, vector<1x16xf32>,
        %get3A_1042 = vector.shape_cast %get3A_1041 : vector<1x16xf32> to vector<16xf32>
        %max3A_1043 = arith.maximumf %max3A_1034, %get3A_1042 : vector<16xf32>
        %swap3A_1044 = arith.index_cast %scan3A_28 : i32 to index
        %swap3A_1045 = arith.constant 96 : index
        %swap3A_1046 = tpu.vector_load %arg7[%swap3A_1044, %swap3A_1045] {strides = array<i32>} : memref<8x128xf32, #tpu.memory_space<vmem>>, vector<1x16xf32>,
        %swap3A_1047 = vector.shape_cast %swap3A_1046 : vector<1x16xf32> to vector<16xf32>
        %swap3A_1048 = vector.shape_cast %max3A_1043 : vector<16xf32> to vector<1x16xf32>
        tpu.vector_store %arg7[%swap3A_1044, %swap3A_1045], %swap3A_1048 {strides = array<i32>} : memref<8x128xf32, #tpu.memory_space<vmem>>, vector<1x16xf32>,
        %mul3A_1049 = arith.constant 16 : i32
        %mul3A_1050 = arith.muli %scan3A_28, %mul3A_1049 : i32
        %get3A_1051 = arith.index_cast %mul3A_1050 : i32 to index
        %get3A_1052 = arith.constant 112 : index
        %get3A_1053 = tpu.vector_load %arg6[%get3A_1051, %get3A_1052] {strides = array<i32>} : memref<128x128xf32, #tpu.memory_space<vmem>>, vector<1x16xf32>,
        %get3A_1054 = vector.shape_cast %get3A_1053 : vector<1x16xf32> to vector<16xf32>
        %mul3A_1055 = arith.constant 16 : i32
        %mul3A_1056 = arith.muli %scan3A_28, %mul3A_1055 : i32
        %add3A_1057 = arith.constant 1 : i32
        %add3A_1058 = arith.addi %mul3A_1056, %add3A_1057 : i32
        %get3A_1059 = arith.index_cast %add3A_1058 : i32 to index
        %get3A_1060 = arith.constant 112 : index
        %get3A_1061 = tpu.vector_load %arg6[%get3A_1059, %get3A_1060] {strides = array<i32>} : memref<128x128xf32, #tpu.memory_space<vmem>>, vector<1x16xf32>,
        %get3A_1062 = vector.shape_cast %get3A_1061 : vector<1x16xf32> to vector<16xf32>
        %max3A_1063 = arith.maximumf %get3A_1054, %get3A_1062 : vector<16xf32>
        %mul3A_1064 = arith.constant 16 : i32
        %mul3A_1065 = arith.muli %scan3A_28, %mul3A_1064 : i32
        %add3A_1066 = arith.constant 2 : i32
        %add3A_1067 = arith.addi %mul3A_1065, %add3A_1066 : i32
        %get3A_1068 = arith.index_cast %add3A_1067 : i32 to index
        %get3A_1069 = arith.constant 112 : index
        %get3A_1070 = tpu.vector_load %arg6[%get3A_1068, %get3A_1069] {strides = array<i32>} : memref<128x128xf32, #tpu.memory_space<vmem>>, vector<1x16xf32>,
        %get3A_1071 = vector.shape_cast %get3A_1070 : vector<1x16xf32> to vector<16xf32>
        %max3A_1072 = arith.maximumf %max3A_1063, %get3A_1071 : vector<16xf32>
        %mul3A_1073 = arith.constant 16 : i32
        %mul3A_1074 = arith.muli %scan3A_28, %mul3A_1073 : i32
        %add3A_1075 = arith.constant 3 : i32
        %add3A_1076 = arith.addi %mul3A_1074, %add3A_1075 : i32
        %get3A_1077 = arith.index_cast %add3A_1076 : i32 to index
        %get3A_1078 = arith.constant 112 : index
        %get3A_1079 = tpu.vector_load %arg6[%get3A_1077, %get3A_1078] {strides = array<i32>} : memref<128x128xf32, #tpu.memory_space<vmem>>, vector<1x16xf32>,
        %get3A_1080 = vector.shape_cast %get3A_1079 : vector<1x16xf32> to vector<16xf32>
        %max3A_1081 = arith.maximumf %max3A_1072, %get3A_1080 : vector<16xf32>
        %mul3A_1082 = arith.constant 16 : i32
        %mul3A_1083 = arith.muli %scan3A_28, %mul3A_1082 : i32
        %add3A_1084 = arith.constant 4 : i32
        %add3A_1085 = arith.addi %mul3A_1083, %add3A_1084 : i32
        %get3A_1086 = arith.index_cast %add3A_1085 : i32 to index
        %get3A_1087 = arith.constant 112 : index
        %get3A_1088 = tpu.vector_load %arg6[%get3A_1086, %get3A_1087] {strides = array<i32>} : memref<128x128xf32, #tpu.memory_space<vmem>>, vector<1x16xf32>,
        %get3A_1089 = vector.shape_cast %get3A_1088 : vector<1x16xf32> to vector<16xf32>
        %max3A_1090 = arith.maximumf %max3A_1081, %get3A_1089 : vector<16xf32>
        %mul3A_1091 = arith.constant 16 : i32
        %mul3A_1092 = arith.muli %scan3A_28, %mul3A_1091 : i32
        %add3A_1093 = arith.constant 5 : i32
        %add3A_1094 = arith.addi %mul3A_1092, %add3A_1093 : i32
        %get3A_1095 = arith.index_cast %add3A_1094 : i32 to index
        %get3A_1096 = arith.constant 112 : index
        %get3A_1097 = tpu.vector_load %arg6[%get3A_1095, %get3A_1096] {strides = array<i32>} : memref<128x128xf32, #tpu.memory_space<vmem>>, vector<1x16xf32>,
        %get3A_1098 = vector.shape_cast %get3A_1097 : vector<1x16xf32> to vector<16xf32>
        %max3A_1099 = arith.maximumf %max3A_1090, %get3A_1098 : vector<16xf32>
        %mul3A_1100 = arith.constant 16 : i32
        %mul3A_1101 = arith.muli %scan3A_28, %mul3A_1100 : i32
        %add3A_1102 = arith.constant 6 : i32
        %add3A_1103 = arith.addi %mul3A_1101, %add3A_1102 : i32
        %get3A_1104 = arith.index_cast %add3A_1103 : i32 to index
        %get3A_1105 = arith.constant 112 : index
        %get3A_1106 = tpu.vector_load %arg6[%get3A_1104, %get3A_1105] {strides = array<i32>} : memref<128x128xf32, #tpu.memory_space<vmem>>, vector<1x16xf32>,
        %get3A_1107 = vector.shape_cast %get3A_1106 : vector<1x16xf32> to vector<16xf32>
        %max3A_1108 = arith.maximumf %max3A_1099, %get3A_1107 : vector<16xf32>
        %mul3A_1109 = arith.constant 16 : i32
        %mul3A_1110 = arith.muli %scan3A_28, %mul3A_1109 : i32
        %add3A_1111 = arith.constant 7 : i32
        %add3A_1112 = arith.addi %mul3A_1110, %add3A_1111 : i32
        %get3A_1113 = arith.index_cast %add3A_1112 : i32 to index
        %get3A_1114 = arith.constant 112 : index
        %get3A_1115 = tpu.vector_load %arg6[%get3A_1113, %get3A_1114] {strides = array<i32>} : memref<128x128xf32, #tpu.memory_space<vmem>>, vector<1x16xf32>,
        %get3A_1116 = vector.shape_cast %get3A_1115 : vector<1x16xf32> to vector<16xf32>
        %max3A_1117 = arith.maximumf %max3A_1108, %get3A_1116 : vector<16xf32>
        %mul3A_1118 = arith.constant 16 : i32
        %mul3A_1119 = arith.muli %scan3A_28, %mul3A_1118 : i32
        %add3A_1120 = arith.constant 8 : i32
        %add3A_1121 = arith.addi %mul3A_1119, %add3A_1120 : i32
        %get3A_1122 = arith.index_cast %add3A_1121 : i32 to index
        %get3A_1123 = arith.constant 112 : index
        %get3A_1124 = tpu.vector_load %arg6[%get3A_1122, %get3A_1123] {strides = array<i32>} : memref<128x128xf32, #tpu.memory_space<vmem>>, vector<1x16xf32>,
        %get3A_1125 = vector.shape_cast %get3A_1124 : vector<1x16xf32> to vector<16xf32>
        %max3A_1126 = arith.maximumf %max3A_1117, %get3A_1125 : vector<16xf32>
        %mul3A_1127 = arith.constant 16 : i32
        %mul3A_1128 = arith.muli %scan3A_28, %mul3A_1127 : i32
        %add3A_1129 = arith.constant 9 : i32
        %add3A_1130 = arith.addi %mul3A_1128, %add3A_1129 : i32
        %get3A_1131 = arith.index_cast %add3A_1130 : i32 to index
        %get3A_1132 = arith.constant 112 : index
        %get3A_1133 = tpu.vector_load %arg6[%get3A_1131, %get3A_1132] {strides = array<i32>} : memref<128x128xf32, #tpu.memory_space<vmem>>, vector<1x16xf32>,
        %get3A_1134 = vector.shape_cast %get3A_1133 : vector<1x16xf32> to vector<16xf32>
        %max3A_1135 = arith.maximumf %max3A_1126, %get3A_1134 : vector<16xf32>
        %mul3A_1136 = arith.constant 16 : i32
        %mul3A_1137 = arith.muli %scan3A_28, %mul3A_1136 : i32
        %add3A_1138 = arith.constant 10 : i32
        %add3A_1139 = arith.addi %mul3A_1137, %add3A_1138 : i32
        %get3A_1140 = arith.index_cast %add3A_1139 : i32 to index
        %get3A_1141 = arith.constant 112 : index
        %get3A_1142 = tpu.vector_load %arg6[%get3A_1140, %get3A_1141] {strides = array<i32>} : memref<128x128xf32, #tpu.memory_space<vmem>>, vector<1x16xf32>,
        %get3A_1143 = vector.shape_cast %get3A_1142 : vector<1x16xf32> to vector<16xf32>
        %max3A_1144 = arith.maximumf %max3A_1135, %get3A_1143 : vector<16xf32>
        %mul3A_1145 = arith.constant 16 : i32
        %mul3A_1146 = arith.muli %scan3A_28, %mul3A_1145 : i32
        %add3A_1147 = arith.constant 11 : i32
        %add3A_1148 = arith.addi %mul3A_1146, %add3A_1147 : i32
        %get3A_1149 = arith.index_cast %add3A_1148 : i32 to index
        %get3A_1150 = arith.constant 112 : index
        %get3A_1151 = tpu.vector_load %arg6[%get3A_1149, %get3A_1150] {strides = array<i32>} : memref<128x128xf32, #tpu.memory_space<vmem>>, vector<1x16xf32>,
        %get3A_1152 = vector.shape_cast %get3A_1151 : vector<1x16xf32> to vector<16xf32>
        %max3A_1153 = arith.maximumf %max3A_1144, %get3A_1152 : vector<16xf32>
        %mul3A_1154 = arith.constant 16 : i32
        %mul3A_1155 = arith.muli %scan3A_28, %mul3A_1154 : i32
        %add3A_1156 = arith.constant 12 : i32
        %add3A_1157 = arith.addi %mul3A_1155, %add3A_1156 : i32
        %get3A_1158 = arith.index_cast %add3A_1157 : i32 to index
        %get3A_1159 = arith.constant 112 : index
        %get3A_1160 = tpu.vector_load %arg6[%get3A_1158, %get3A_1159] {strides = array<i32>} : memref<128x128xf32, #tpu.memory_space<vmem>>, vector<1x16xf32>,
        %get3A_1161 = vector.shape_cast %get3A_1160 : vector<1x16xf32> to vector<16xf32>
        %max3A_1162 = arith.maximumf %max3A_1153, %get3A_1161 : vector<16xf32>
        %mul3A_1163 = arith.constant 16 : i32
        %mul3A_1164 = arith.muli %scan3A_28, %mul3A_1163 : i32
        %add3A_1165 = arith.constant 13 : i32
        %add3A_1166 = arith.addi %mul3A_1164, %add3A_1165 : i32
        %get3A_1167 = arith.index_cast %add3A_1166 : i32 to index
        %get3A_1168 = arith.constant 112 : index
        %get3A_1169 = tpu.vector_load %arg6[%get3A_1167, %get3A_1168] {strides = array<i32>} : memref<128x128xf32, #tpu.memory_space<vmem>>, vector<1x16xf32>,
        %get3A_1170 = vector.shape_cast %get3A_1169 : vector<1x16xf32> to vector<16xf32>
        %max3A_1171 = arith.maximumf %max3A_1162, %get3A_1170 : vector<16xf32>
        %mul3A_1172 = arith.constant 16 : i32
        %mul3A_1173 = arith.muli %scan3A_28, %mul3A_1172 : i32
        %add3A_1174 = arith.constant 14 : i32
        %add3A_1175 = arith.addi %mul3A_1173, %add3A_1174 : i32
        %get3A_1176 = arith.index_cast %add3A_1175 : i32 to index
        %get3A_1177 = arith.constant 112 : index
        %get3A_1178 = tpu.vector_load %arg6[%get3A_1176, %get3A_1177] {strides = array<i32>} : memref<128x128xf32, #tpu.memory_space<vmem>>, vector<1x16xf32>,
        %get3A_1179 = vector.shape_cast %get3A_1178 : vector<1x16xf32> to vector<16xf32>
        %max3A_1180 = arith.maximumf %max3A_1171, %get3A_1179 : vector<16xf32>
        %mul3A_1181 = arith.constant 16 : i32
        %mul3A_1182 = arith.muli %scan3A_28, %mul3A_1181 : i32
        %add3A_1183 = arith.constant 15 : i32
        %add3A_1184 = arith.addi %mul3A_1182, %add3A_1183 : i32
        %get3A_1185 = arith.index_cast %add3A_1184 : i32 to index
        %get3A_1186 = arith.constant 112 : index
        %get3A_1187 = tpu.vector_load %arg6[%get3A_1185, %get3A_1186] {strides = array<i32>} : memref<128x128xf32, #tpu.memory_space<vmem>>, vector<1x16xf32>,
        %get3A_1188 = vector.shape_cast %get3A_1187 : vector<1x16xf32> to vector<16xf32>
        %max3A_1189 = arith.maximumf %max3A_1180, %get3A_1188 : vector<16xf32>
        %swap3A_1190 = arith.index_cast %scan3A_28 : i32 to index
        %swap3A_1191 = arith.constant 112 : index
        %swap3A_1192 = tpu.vector_load %arg7[%swap3A_1190, %swap3A_1191] {strides = array<i32>} : memref<8x128xf32, #tpu.memory_space<vmem>>, vector<1x16xf32>,
        %swap3A_1193 = vector.shape_cast %swap3A_1192 : vector<1x16xf32> to vector<16xf32>
        %swap3A_1194 = vector.shape_cast %max3A_1189 : vector<16xf32> to vector<1x16xf32>
        tpu.vector_store %arg7[%swap3A_1190, %swap3A_1191], %swap3A_1194 {strides = array<i32>} : memref<8x128xf32, #tpu.memory_space<vmem>>, vector<1x16xf32>,
        %scan3A_1195 = arith.constant 0 : i32
        scf.yield %scan3A_1195 : i32
      }
      %scan3A_26 = arith.constant 8 : i32
      "tpu.region"() ({
        %run_scoped3A = tpu.sem_alloc : memref<!tpu.dma_semaphore, #tpu.memory_space<semaphore_mem>>
        %dma_start3A_28 = arith.constant 0 : i32
        %dma_start3A_29 = tpu.memref_slice %arg4[%add3A_13, %dma_start3A_28] : memref<8192x128xf32, #tpu.memory_space<hbm>> -> memref<8x128xf32, #tpu.memory_space<hbm>>
        %dma_start3A_30 = arith.constant 0 : i32
        %dma_start3A_31 = tpu.memref_slice %arg4[%add3A_13, %dma_start3A_30] : memref<8192x128xf32, #tpu.memory_space<hbm>> -> memref<8x128xf32, #tpu.memory_space<hbm>>
        tpu.enqueue_dma source(%arg7 : memref<8x128xf32, #tpu.memory_space<vmem>>) target(%dma_start3A_31 : memref<8x128xf32, #tpu.memory_space<hbm>>) target_semaphore(%run_scoped3A : memref<!tpu.dma_semaphore, #tpu.memory_space<semaphore_mem>>)
        %dma_wait3A_32 = arith.constant 0 : i32
        %dma_wait3A_33 = tpu.memref_slice %arg4[%add3A_13, %dma_wait3A_32] : memref<8192x128xf32, #tpu.memory_space<hbm>> -> memref<8x128xf32, #tpu.memory_space<hbm>>
        %dma_wait3A_34 = arith.constant 0 : i32
        %dma_wait3A_35 = tpu.memref_slice %arg4[%add3A_13, %dma_wait3A_34] : memref<8192x128xf32, #tpu.memory_space<hbm>> -> memref<8x128xf32, #tpu.memory_space<hbm>>
        tpu.wait_dma2 semaphore(%run_scoped3A : memref<!tpu.dma_semaphore, #tpu.memory_space<semaphore_mem>>) src(%arg7 : memref<8x128xf32, #tpu.memory_space<vmem>>) dst(%dma_wait3A_35 : memref<8x128xf32, #tpu.memory_space<hbm>>)
        tpu.yield
      }) : () -> ()
      %scan3A_27 = arith.constant 0 : i32
      scf.yield %scan3A_27 : i32
    }
    %scan3A_8 = arith.constant 32 : i32
    return
  }
}

module attributes {stable_mosaic.version = 14 : i64} {
  func.func @_fps_body(%arg0: memref<4x4096xf32, #tpu.memory_space<vmem>>, %arg1: memref<4x4096xf32, #tpu.memory_space<vmem>>, %arg2: memref<4x4096xf32, #tpu.memory_space<vmem>>, %arg3: memref<4x2048xf32, #tpu.memory_space<vmem>>, %arg4: memref<4x2048xf32, #tpu.memory_space<vmem>>, %arg5: memref<4x2048xf32, #tpu.memory_space<vmem>>) attributes {dimension_semantics = [], scalar_prefetch = 0 : i64, scratch_operands = 0 : i64, tpu.core_type = #tpu.core_type<tc>} {
    %get3A = arith.constant 0 : index
    %get3A_0 = arith.constant 0 : index
    %get3A_1 = vector.load %arg0[%get3A, %get3A_0] : memref<4x4096xf32, #tpu.memory_space<vmem>>, vector<4x4096xf32>
    %get3A_2 = arith.constant 0 : index
    %get3A_3 = arith.constant 0 : index
    %get3A_4 = vector.load %arg1[%get3A_2, %get3A_3] : memref<4x4096xf32, #tpu.memory_space<vmem>>, vector<4x4096xf32>
    %get3A_5 = arith.constant 0 : index
    %get3A_6 = arith.constant 0 : index
    %get3A_7 = vector.load %arg2[%get3A_5, %get3A_6] : memref<4x4096xf32, #tpu.memory_space<vmem>>, vector<4x4096xf32>
    %iota3A = tpu.iota {dimensions = array<i32: 1>} : vector<4x4096xi32>
    %iota3A_8 = tpu.iota {dimensions = array<i32: 1>} : vector<4x128xi32>
    %broadcast_in_dim3A = arith.constant 1.000000e+10 : f32
    %broadcast_in_dim3A_9 = vector.broadcast %broadcast_in_dim3A : f32 to vector<4x4096xf32>
    %broadcast_in_dim3A_10 = arith.constant 0 : i32
    %broadcast_in_dim3A_11 = vector.broadcast %broadcast_in_dim3A_10 : i32 to vector<4x1xi32>
    %scan3A = arith.constant 0 : i32
    %scan3A_12 = arith.constant 16 : i32
    %scan3A_13 = arith.addi %scan3A, %scan3A_12 : i32
    %scan3A_14 = arith.constant 1 : i32
    %scan3A_15:2 = scf.for %scan3A_17 = %scan3A to %scan3A_13 step %scan3A_14 iter_args(%scan3A_18 = %broadcast_in_dim3A_9, %scan3A_19 = %broadcast_in_dim3A_11) -> (vector<4x4096xf32>, vector<4x1xi32>)  : i32 {
      %broadcast_in_dim3A_20 = arith.constant 0.000000e+00 : f32
      %broadcast_in_dim3A_21 = vector.broadcast %broadcast_in_dim3A_20 : f32 to vector<4x128xf32>
      %scan3A_22 = arith.constant 0 : i32
      %scan3A_23 = arith.constant 128 : i32
      %scan3A_24 = arith.addi %scan3A_22, %scan3A_23 : i32
      %scan3A_25 = arith.constant 1 : i32
      %scan3A_26:5 = scf.for %scan3A_37 = %scan3A_22 to %scan3A_24 step %scan3A_25 iter_args(%scan3A_38 = %scan3A_18, %scan3A_39 = %scan3A_19, %scan3A_40 = %broadcast_in_dim3A_21, %scan3A_41 = %broadcast_in_dim3A_21, %scan3A_42 = %broadcast_in_dim3A_21) -> (vector<4x4096xf32>, vector<4x1xi32>, vector<4x128xf32>, vector<4x128xf32>, vector<4x128xf32>)  : i32 {
        %eq3A = vector.broadcast %scan3A_39 : vector<4x1xi32> to vector<4x4096xi32>
        %eq3A_43 = arith.cmpi eq, %iota3A, %eq3A : vector<4x4096xi32>
        %jit3A = arith.constant 0.000000e+00 : f32
        %broadcast_in_dim3A_44 = vector.broadcast %jit3A : f32 to vector<4x4096xf32>
        %select_n3A = arith.select %eq3A_43, %get3A_1, %broadcast_in_dim3A_44 : vector<4x4096xi1>, vector<4x4096xf32>
        %reduce_sum3A = arith.constant dense<0.000000e+00> : vector<4xf32>
        %reduce_sum3A_45 = vector.multi_reduction <add>, %select_n3A, %reduce_sum3A [1] : vector<4x4096xf32> to vector<4xf32>
        %broadcast_in_dim3A_46 = vector.shape_cast %reduce_sum3A_45 : vector<4xf32> to vector<4x1xf32>
        %jit3A_47 = arith.constant 0.000000e+00 : f32
        %broadcast_in_dim3A_48 = vector.broadcast %jit3A_47 : f32 to vector<4x4096xf32>
        %select_n3A_49 = arith.select %eq3A_43, %get3A_4, %broadcast_in_dim3A_48 : vector<4x4096xi1>, vector<4x4096xf32>
        %reduce_sum3A_50 = arith.constant dense<0.000000e+00> : vector<4xf32>
        %reduce_sum3A_51 = vector.multi_reduction <add>, %select_n3A_49, %reduce_sum3A_50 [1] : vector<4x4096xf32> to vector<4xf32>
        %broadcast_in_dim3A_52 = vector.shape_cast %reduce_sum3A_51 : vector<4xf32> to vector<4x1xf32>
        %jit3A_53 = arith.constant 0.000000e+00 : f32
        %broadcast_in_dim3A_54 = vector.broadcast %jit3A_53 : f32 to vector<4x4096xf32>
        %select_n3A_55 = arith.select %eq3A_43, %get3A_7, %broadcast_in_dim3A_54 : vector<4x4096xi1>, vector<4x4096xf32>
        %reduce_sum3A_56 = arith.constant dense<0.000000e+00> : vector<4xf32>
        %reduce_sum3A_57 = vector.multi_reduction <add>, %select_n3A_55, %reduce_sum3A_56 [1] : vector<4x4096xf32> to vector<4xf32>
        %broadcast_in_dim3A_58 = vector.shape_cast %reduce_sum3A_57 : vector<4xf32> to vector<4x1xf32>
        %eq3A_59 = vector.broadcast %scan3A_37 : i32 to vector<4x128xi32>
        %eq3A_60 = arith.cmpi eq, %iota3A_8, %eq3A_59 : vector<4x128xi32>
        %broadcast_in_dim3A_61 = vector.shape_cast %broadcast_in_dim3A_46 : vector<4x1xf32> to vector<4x1xf32>
        %broadcast_in_dim3A_62 = vector.broadcast %broadcast_in_dim3A_61 : vector<4x1xf32> to vector<4x128xf32>
        %select_n3A_63 = arith.select %eq3A_60, %broadcast_in_dim3A_62, %scan3A_40 : vector<4x128xi1>, vector<4x128xf32>
        %broadcast_in_dim3A_64 = vector.shape_cast %broadcast_in_dim3A_52 : vector<4x1xf32> to vector<4x1xf32>
        %broadcast_in_dim3A_65 = vector.broadcast %broadcast_in_dim3A_64 : vector<4x1xf32> to vector<4x128xf32>
        %select_n3A_66 = arith.select %eq3A_60, %broadcast_in_dim3A_65, %scan3A_41 : vector<4x128xi1>, vector<4x128xf32>
        %broadcast_in_dim3A_67 = vector.shape_cast %broadcast_in_dim3A_58 : vector<4x1xf32> to vector<4x1xf32>
        %broadcast_in_dim3A_68 = vector.broadcast %broadcast_in_dim3A_67 : vector<4x1xf32> to vector<4x128xf32>
        %select_n3A_69 = arith.select %eq3A_60, %broadcast_in_dim3A_68, %scan3A_42 : vector<4x128xi1>, vector<4x128xf32>
        %sub3A = vector.broadcast %broadcast_in_dim3A_46 : vector<4x1xf32> to vector<4x4096xf32>
        %sub3A_70 = arith.subf %get3A_1, %sub3A : vector<4x4096xf32>
        %sub3A_71 = vector.broadcast %broadcast_in_dim3A_52 : vector<4x1xf32> to vector<4x4096xf32>
        %sub3A_72 = arith.subf %get3A_4, %sub3A_71 : vector<4x4096xf32>
        %sub3A_73 = vector.broadcast %broadcast_in_dim3A_58 : vector<4x1xf32> to vector<4x4096xf32>
        %sub3A_74 = arith.subf %get3A_7, %sub3A_73 : vector<4x4096xf32>
        %mul3A_75 = arith.mulf %sub3A_70, %sub3A_70 : vector<4x4096xf32>
        %mul3A_76 = arith.mulf %sub3A_72, %sub3A_72 : vector<4x4096xf32>
        %mul3A_77 = arith.mulf %sub3A_74, %sub3A_74 : vector<4x4096xf32>
        %add3A = arith.addf %mul3A_76, %mul3A_77 : vector<4x4096xf32>
        %add3A_78 = arith.addf %mul3A_75, %add3A : vector<4x4096xf32>
        %min3A = arith.minimumf %scan3A_38, %add3A_78 : vector<4x4096xf32>
        %reduce_max3A = arith.constant dense<0xFF800000> : vector<4xf32>
        %reduce_max3A_79 = vector.multi_reduction <maximumf>, %min3A, %reduce_max3A [1] : vector<4x4096xf32> to vector<4xf32>
        %broadcast_in_dim3A_80 = vector.shape_cast %reduce_max3A_79 : vector<4xf32> to vector<4x1xf32>
        %eq3A_81 = vector.broadcast %broadcast_in_dim3A_80 : vector<4x1xf32> to vector<4x4096xf32>
        %eq3A_82 = arith.cmpf oeq, %min3A, %eq3A_81 : vector<4x4096xf32>
        %jit3A_83 = arith.constant 4096 : i32
        %broadcast_in_dim3A_84 = vector.broadcast %jit3A_83 : i32 to vector<4x4096xi32>
        %select_n3A_85 = arith.select %eq3A_82, %iota3A, %broadcast_in_dim3A_84 : vector<4x4096xi1>, vector<4x4096xi32>
        %reduce_min3A = arith.constant dense<2147483647> : vector<4xi32>
        %reduce_min3A_86 = vector.multi_reduction <minsi>, %select_n3A_85, %reduce_min3A [1] : vector<4x4096xi32> to vector<4xi32>
        %broadcast_in_dim3A_87 = vector.shape_cast %reduce_min3A_86 : vector<4xi32> to vector<4x1xi32>
        scf.yield %min3A, %broadcast_in_dim3A_87, %select_n3A_63, %select_n3A_66, %select_n3A_69 : vector<4x4096xf32>, vector<4x1xi32>, vector<4x128xf32>, vector<4x128xf32>, vector<4x128xf32>
      }
      %scan3A_27 = arith.constant 128 : i32
      %mul3A = arith.constant 128 : i32
      %mul3A_28 = arith.muli %scan3A_17, %mul3A : i32
      %multiple_of3A = tpu.assume_multiple %mul3A_28, 128 : i32
      %swap3A = arith.constant 0 : index
      %swap3A_29 = arith.index_cast %multiple_of3A : i32 to index
      %swap3A_30 = vector.load %arg3[%swap3A, %swap3A_29] : memref<4x2048xf32, #tpu.memory_space<vmem>>, vector<4x128xf32>
      tpu.vector_store %arg3[%swap3A, %swap3A_29], %scan3A_26#2 {strides = array<i32>} : memref<4x2048xf32, #tpu.memory_space<vmem>>, vector<4x128xf32>,
      %swap3A_31 = arith.constant 0 : index
      %swap3A_32 = arith.index_cast %multiple_of3A : i32 to index
      %swap3A_33 = vector.load %arg4[%swap3A_31, %swap3A_32] : memref<4x2048xf32, #tpu.memory_space<vmem>>, vector<4x128xf32>
      tpu.vector_store %arg4[%swap3A_31, %swap3A_32], %scan3A_26#3 {strides = array<i32>} : memref<4x2048xf32, #tpu.memory_space<vmem>>, vector<4x128xf32>,
      %swap3A_34 = arith.constant 0 : index
      %swap3A_35 = arith.index_cast %multiple_of3A : i32 to index
      %swap3A_36 = vector.load %arg5[%swap3A_34, %swap3A_35] : memref<4x2048xf32, #tpu.memory_space<vmem>>, vector<4x128xf32>
      tpu.vector_store %arg5[%swap3A_34, %swap3A_35], %scan3A_26#4 {strides = array<i32>} : memref<4x2048xf32, #tpu.memory_space<vmem>>, vector<4x128xf32>,
      scf.yield %scan3A_26#0, %scan3A_26#1 : vector<4x4096xf32>, vector<4x1xi32>
    }
    %scan3A_16 = arith.constant 16 : i32
    return
  }
}

module attributes {stable_mosaic.version = 14 : i64} {
  func.func @_knn_body(%arg0: i32, %arg1: i32, %arg2: memref<1x256x3xf32, #tpu.memory_space<vmem>>, %arg3: memref<1x3x4096xf32, #tpu.memory_space<vmem>>, %arg4: memref<1x256x16xi32, #tpu.memory_space<vmem>>) attributes {dimension_semantics = [#tpu.dimension_semantics<arbitrary>, #tpu.dimension_semantics<arbitrary>], iteration_bounds = array<i64: 4, 8>, scalar_prefetch = 0 : i64, scratch_operands = 0 : i64, tpu.core_type = #tpu.core_type<tc>, window_params = [{transform_indices = @transform_0, window_bounds = array<i64: 1, 256, 3>}, {transform_indices = @transform_1, window_bounds = array<i64: 1, 3, 4096>}, {transform_indices = @transform_2, window_bounds = array<i64: 1, 256, 16>}]} {
    %get3A = arith.constant 0 : index
    %get3A_0 = arith.constant 0 : index
    %get3A_1 = arith.constant 0 : index
    %get3A_2 = vector.load %arg2[%get3A, %get3A_0, %get3A_1] : memref<1x256x3xf32, #tpu.memory_space<vmem>>, vector<1x256x3xf32>
    %get3A_3 = vector.shape_cast %get3A_2 : vector<1x256x3xf32> to vector<256x3xf32>
    %get3A_4 = arith.constant 0 : index
    %get3A_5 = arith.constant 0 : index
    %get3A_6 = arith.constant 0 : index
    %get3A_7 = vector.load %arg3[%get3A_4, %get3A_5, %get3A_6] : memref<1x3x4096xf32, #tpu.memory_space<vmem>>, vector<1x3x4096xf32>
    %get3A_8 = vector.shape_cast %get3A_7 : vector<1x3x4096xf32> to vector<3x4096xf32>
    %dot_general3A = arith.constant dense<0.000000e+00> : vector<256x4096xf32>
    %dot_general3A_9 = tpu.matmul %get3A_3, %get3A_8, %dot_general3A {dimension_numbers = #tpu.dot_dimension_numbers<[1], [0], [0], [1], [0, 0, 1, 1], [], []>, transpose_lhs_hint = false} : vector<256x3xf32>, vector<3x4096xf32>, vector<256x4096xf32> -> vector<256x4096xf32>
    %mul3A = arith.mulf %get3A_3, %get3A_3 : vector<256x3xf32>
    %reduce_sum3A = arith.constant dense<0.000000e+00> : vector<256xf32>
    %reduce_sum3A_10 = vector.multi_reduction <add>, %mul3A, %reduce_sum3A [1] : vector<256x3xf32> to vector<256xf32>
    %broadcast_in_dim3A = vector.shape_cast %reduce_sum3A_10 : vector<256xf32> to vector<256x1xf32>
    %mul3A_11 = arith.mulf %get3A_8, %get3A_8 : vector<3x4096xf32>
    %reduce_sum3A_12 = arith.constant dense<0.000000e+00> : vector<4096xf32>
    %reduce_sum3A_13 = vector.multi_reduction <add>, %mul3A_11, %reduce_sum3A_12 [0] : vector<3x4096xf32> to vector<4096xf32>
    %broadcast_in_dim3A_14 = vector.shape_cast %reduce_sum3A_13 : vector<4096xf32> to vector<1x4096xf32>
    %mul3A_15 = arith.constant -2.000000e+00 : f32
    %mul3A_16 = vector.broadcast %mul3A_15 : f32 to vector<256x4096xf32>
    %mul3A_17 = arith.mulf %mul3A_16, %dot_general3A_9 : vector<256x4096xf32>
    %add3A = vector.broadcast %broadcast_in_dim3A : vector<256x1xf32> to vector<256x4096xf32>
    %add3A_18 = arith.addf %mul3A_17, %add3A : vector<256x4096xf32>
    %add3A_19 = vector.broadcast %broadcast_in_dim3A_14 : vector<1x4096xf32> to vector<256x4096xf32>
    %add3A_20 = arith.addf %add3A_18, %add3A_19 : vector<256x4096xf32>
    %bitcast_convert_type3A = tpu.bitcast %add3A_20 : vector<256x4096xf32> -> vector<256x4096xi32>
    %shift_right_arithmetic3A = arith.constant 31 : i32
    %shift_right_arithmetic3A_21 = vector.broadcast %shift_right_arithmetic3A : i32 to vector<256x4096xi32>
    %shift_right_arithmetic3A_22 = arith.shrsi %bitcast_convert_type3A, %shift_right_arithmetic3A_21 : vector<256x4096xi32>
    %and3A = arith.constant 2147483647 : i32
    %and3A_23 = vector.broadcast %and3A : i32 to vector<256x4096xi32>
    %and3A_24 = arith.andi %shift_right_arithmetic3A_22, %and3A_23 : vector<256x4096xi32>
    %xor3A = arith.xori %bitcast_convert_type3A, %and3A_24 : vector<256x4096xi32>
    %iota3A = tpu.iota {dimensions = array<i32: 1>} : vector<256x4096xi32>
    %reduce_min3A = arith.constant dense<2147483647> : vector<256xi32>
    %reduce_min3A_25 = vector.multi_reduction <minsi>, %xor3A, %reduce_min3A [1] : vector<256x4096xi32> to vector<256xi32>
    %broadcast_in_dim3A_26 = vector.shape_cast %reduce_min3A_25 : vector<256xi32> to vector<256x1xi32>
    %eq3A = vector.broadcast %broadcast_in_dim3A_26 : vector<256x1xi32> to vector<256x4096xi32>
    %eq3A_27 = arith.cmpi eq, %xor3A, %eq3A : vector<256x4096xi32>
    %jit3A = arith.constant 4096 : i32
    %broadcast_in_dim3A_28 = vector.broadcast %jit3A : i32 to vector<256x4096xi32>
    %select_n3A = arith.select %eq3A_27, %iota3A, %broadcast_in_dim3A_28 : vector<256x4096xi1>, vector<256x4096xi32>
    %reduce_min3A_29 = arith.constant dense<2147483647> : vector<256xi32>
    %reduce_min3A_30 = vector.multi_reduction <minsi>, %select_n3A, %reduce_min3A_29 [1] : vector<256x4096xi32> to vector<256xi32>
    %broadcast_in_dim3A_31 = vector.shape_cast %reduce_min3A_30 : vector<256xi32> to vector<256x1xi32>
    %eq3A_32 = vector.broadcast %broadcast_in_dim3A_31 : vector<256x1xi32> to vector<256x4096xi32>
    %eq3A_33 = arith.cmpi eq, %iota3A, %eq3A_32 : vector<256x4096xi32>
    %jit3A_34 = arith.constant 2147483647 : i32
    %broadcast_in_dim3A_35 = vector.broadcast %jit3A_34 : i32 to vector<256x4096xi32>
    %select_n3A_36 = arith.select %eq3A_33, %broadcast_in_dim3A_35, %xor3A : vector<256x4096xi1>, vector<256x4096xi32>
    %mul3A_37 = arith.constant 4096 : i32
    %mul3A_38 = arith.muli %arg0, %mul3A_37 : i32
    %add3A_39 = vector.broadcast %mul3A_38 : i32 to vector<256x1xi32>
    %add3A_40 = arith.addi %broadcast_in_dim3A_31, %add3A_39 : vector<256x1xi32>
    %swap3A = arith.constant 0 : index
    %swap3A_41 = arith.constant 0 : index
    %swap3A_42 = arith.constant 0 : index
    %swap3A_43 = vector.load %arg4[%swap3A, %swap3A_41, %swap3A_42] : memref<1x256x16xi32, #tpu.memory_space<vmem>>, vector<1x256x1xi32>
    %swap3A_44 = vector.shape_cast %swap3A_43 : vector<1x256x1xi32> to vector<256x1xi32>
    %swap3A_45 = vector.shape_cast %add3A_40 : vector<256x1xi32> to vector<1x256x1xi32>
    tpu.vector_store %arg4[%swap3A, %swap3A_41, %swap3A_42], %swap3A_45 {strides = array<i32>} : memref<1x256x16xi32, #tpu.memory_space<vmem>>, vector<1x256x1xi32>,
    %reduce_min3A_46 = arith.constant dense<2147483647> : vector<256xi32>
    %reduce_min3A_47 = vector.multi_reduction <minsi>, %select_n3A_36, %reduce_min3A_46 [1] : vector<256x4096xi32> to vector<256xi32>
    %broadcast_in_dim3A_48 = vector.shape_cast %reduce_min3A_47 : vector<256xi32> to vector<256x1xi32>
    %eq3A_49 = vector.broadcast %broadcast_in_dim3A_48 : vector<256x1xi32> to vector<256x4096xi32>
    %eq3A_50 = arith.cmpi eq, %select_n3A_36, %eq3A_49 : vector<256x4096xi32>
    %jit3A_51 = arith.constant 4096 : i32
    %broadcast_in_dim3A_52 = vector.broadcast %jit3A_51 : i32 to vector<256x4096xi32>
    %select_n3A_53 = arith.select %eq3A_50, %iota3A, %broadcast_in_dim3A_52 : vector<256x4096xi1>, vector<256x4096xi32>
    %reduce_min3A_54 = arith.constant dense<2147483647> : vector<256xi32>
    %reduce_min3A_55 = vector.multi_reduction <minsi>, %select_n3A_53, %reduce_min3A_54 [1] : vector<256x4096xi32> to vector<256xi32>
    %broadcast_in_dim3A_56 = vector.shape_cast %reduce_min3A_55 : vector<256xi32> to vector<256x1xi32>
    %eq3A_57 = vector.broadcast %broadcast_in_dim3A_56 : vector<256x1xi32> to vector<256x4096xi32>
    %eq3A_58 = arith.cmpi eq, %iota3A, %eq3A_57 : vector<256x4096xi32>
    %jit3A_59 = arith.constant 2147483647 : i32
    %broadcast_in_dim3A_60 = vector.broadcast %jit3A_59 : i32 to vector<256x4096xi32>
    %select_n3A_61 = arith.select %eq3A_58, %broadcast_in_dim3A_60, %select_n3A_36 : vector<256x4096xi1>, vector<256x4096xi32>
    %mul3A_62 = arith.constant 4096 : i32
    %mul3A_63 = arith.muli %arg0, %mul3A_62 : i32
    %add3A_64 = vector.broadcast %mul3A_63 : i32 to vector<256x1xi32>
    %add3A_65 = arith.addi %broadcast_in_dim3A_56, %add3A_64 : vector<256x1xi32>
    %swap3A_66 = arith.constant 0 : index
    %swap3A_67 = arith.constant 0 : index
    %swap3A_68 = arith.constant 1 : index
    %swap3A_69 = vector.load %arg4[%swap3A_66, %swap3A_67, %swap3A_68] : memref<1x256x16xi32, #tpu.memory_space<vmem>>, vector<1x256x1xi32>
    %swap3A_70 = vector.shape_cast %swap3A_69 : vector<1x256x1xi32> to vector<256x1xi32>
    %swap3A_71 = vector.shape_cast %add3A_65 : vector<256x1xi32> to vector<1x256x1xi32>
    tpu.vector_store %arg4[%swap3A_66, %swap3A_67, %swap3A_68], %swap3A_71 {strides = array<i32>} : memref<1x256x16xi32, #tpu.memory_space<vmem>>, vector<1x256x1xi32>,
    %reduce_min3A_72 = arith.constant dense<2147483647> : vector<256xi32>
    %reduce_min3A_73 = vector.multi_reduction <minsi>, %select_n3A_61, %reduce_min3A_72 [1] : vector<256x4096xi32> to vector<256xi32>
    %broadcast_in_dim3A_74 = vector.shape_cast %reduce_min3A_73 : vector<256xi32> to vector<256x1xi32>
    %eq3A_75 = vector.broadcast %broadcast_in_dim3A_74 : vector<256x1xi32> to vector<256x4096xi32>
    %eq3A_76 = arith.cmpi eq, %select_n3A_61, %eq3A_75 : vector<256x4096xi32>
    %jit3A_77 = arith.constant 4096 : i32
    %broadcast_in_dim3A_78 = vector.broadcast %jit3A_77 : i32 to vector<256x4096xi32>
    %select_n3A_79 = arith.select %eq3A_76, %iota3A, %broadcast_in_dim3A_78 : vector<256x4096xi1>, vector<256x4096xi32>
    %reduce_min3A_80 = arith.constant dense<2147483647> : vector<256xi32>
    %reduce_min3A_81 = vector.multi_reduction <minsi>, %select_n3A_79, %reduce_min3A_80 [1] : vector<256x4096xi32> to vector<256xi32>
    %broadcast_in_dim3A_82 = vector.shape_cast %reduce_min3A_81 : vector<256xi32> to vector<256x1xi32>
    %eq3A_83 = vector.broadcast %broadcast_in_dim3A_82 : vector<256x1xi32> to vector<256x4096xi32>
    %eq3A_84 = arith.cmpi eq, %iota3A, %eq3A_83 : vector<256x4096xi32>
    %jit3A_85 = arith.constant 2147483647 : i32
    %broadcast_in_dim3A_86 = vector.broadcast %jit3A_85 : i32 to vector<256x4096xi32>
    %select_n3A_87 = arith.select %eq3A_84, %broadcast_in_dim3A_86, %select_n3A_61 : vector<256x4096xi1>, vector<256x4096xi32>
    %mul3A_88 = arith.constant 4096 : i32
    %mul3A_89 = arith.muli %arg0, %mul3A_88 : i32
    %add3A_90 = vector.broadcast %mul3A_89 : i32 to vector<256x1xi32>
    %add3A_91 = arith.addi %broadcast_in_dim3A_82, %add3A_90 : vector<256x1xi32>
    %swap3A_92 = arith.constant 0 : index
    %swap3A_93 = arith.constant 0 : index
    %swap3A_94 = arith.constant 2 : index
    %swap3A_95 = vector.load %arg4[%swap3A_92, %swap3A_93, %swap3A_94] : memref<1x256x16xi32, #tpu.memory_space<vmem>>, vector<1x256x1xi32>
    %swap3A_96 = vector.shape_cast %swap3A_95 : vector<1x256x1xi32> to vector<256x1xi32>
    %swap3A_97 = vector.shape_cast %add3A_91 : vector<256x1xi32> to vector<1x256x1xi32>
    tpu.vector_store %arg4[%swap3A_92, %swap3A_93, %swap3A_94], %swap3A_97 {strides = array<i32>} : memref<1x256x16xi32, #tpu.memory_space<vmem>>, vector<1x256x1xi32>,
    %reduce_min3A_98 = arith.constant dense<2147483647> : vector<256xi32>
    %reduce_min3A_99 = vector.multi_reduction <minsi>, %select_n3A_87, %reduce_min3A_98 [1] : vector<256x4096xi32> to vector<256xi32>
    %broadcast_in_dim3A_100 = vector.shape_cast %reduce_min3A_99 : vector<256xi32> to vector<256x1xi32>
    %eq3A_101 = vector.broadcast %broadcast_in_dim3A_100 : vector<256x1xi32> to vector<256x4096xi32>
    %eq3A_102 = arith.cmpi eq, %select_n3A_87, %eq3A_101 : vector<256x4096xi32>
    %jit3A_103 = arith.constant 4096 : i32
    %broadcast_in_dim3A_104 = vector.broadcast %jit3A_103 : i32 to vector<256x4096xi32>
    %select_n3A_105 = arith.select %eq3A_102, %iota3A, %broadcast_in_dim3A_104 : vector<256x4096xi1>, vector<256x4096xi32>
    %reduce_min3A_106 = arith.constant dense<2147483647> : vector<256xi32>
    %reduce_min3A_107 = vector.multi_reduction <minsi>, %select_n3A_105, %reduce_min3A_106 [1] : vector<256x4096xi32> to vector<256xi32>
    %broadcast_in_dim3A_108 = vector.shape_cast %reduce_min3A_107 : vector<256xi32> to vector<256x1xi32>
    %eq3A_109 = vector.broadcast %broadcast_in_dim3A_108 : vector<256x1xi32> to vector<256x4096xi32>
    %eq3A_110 = arith.cmpi eq, %iota3A, %eq3A_109 : vector<256x4096xi32>
    %jit3A_111 = arith.constant 2147483647 : i32
    %broadcast_in_dim3A_112 = vector.broadcast %jit3A_111 : i32 to vector<256x4096xi32>
    %select_n3A_113 = arith.select %eq3A_110, %broadcast_in_dim3A_112, %select_n3A_87 : vector<256x4096xi1>, vector<256x4096xi32>
    %mul3A_114 = arith.constant 4096 : i32
    %mul3A_115 = arith.muli %arg0, %mul3A_114 : i32
    %add3A_116 = vector.broadcast %mul3A_115 : i32 to vector<256x1xi32>
    %add3A_117 = arith.addi %broadcast_in_dim3A_108, %add3A_116 : vector<256x1xi32>
    %swap3A_118 = arith.constant 0 : index
    %swap3A_119 = arith.constant 0 : index
    %swap3A_120 = arith.constant 3 : index
    %swap3A_121 = vector.load %arg4[%swap3A_118, %swap3A_119, %swap3A_120] : memref<1x256x16xi32, #tpu.memory_space<vmem>>, vector<1x256x1xi32>
    %swap3A_122 = vector.shape_cast %swap3A_121 : vector<1x256x1xi32> to vector<256x1xi32>
    %swap3A_123 = vector.shape_cast %add3A_117 : vector<256x1xi32> to vector<1x256x1xi32>
    tpu.vector_store %arg4[%swap3A_118, %swap3A_119, %swap3A_120], %swap3A_123 {strides = array<i32>} : memref<1x256x16xi32, #tpu.memory_space<vmem>>, vector<1x256x1xi32>,
    %reduce_min3A_124 = arith.constant dense<2147483647> : vector<256xi32>
    %reduce_min3A_125 = vector.multi_reduction <minsi>, %select_n3A_113, %reduce_min3A_124 [1] : vector<256x4096xi32> to vector<256xi32>
    %broadcast_in_dim3A_126 = vector.shape_cast %reduce_min3A_125 : vector<256xi32> to vector<256x1xi32>
    %eq3A_127 = vector.broadcast %broadcast_in_dim3A_126 : vector<256x1xi32> to vector<256x4096xi32>
    %eq3A_128 = arith.cmpi eq, %select_n3A_113, %eq3A_127 : vector<256x4096xi32>
    %jit3A_129 = arith.constant 4096 : i32
    %broadcast_in_dim3A_130 = vector.broadcast %jit3A_129 : i32 to vector<256x4096xi32>
    %select_n3A_131 = arith.select %eq3A_128, %iota3A, %broadcast_in_dim3A_130 : vector<256x4096xi1>, vector<256x4096xi32>
    %reduce_min3A_132 = arith.constant dense<2147483647> : vector<256xi32>
    %reduce_min3A_133 = vector.multi_reduction <minsi>, %select_n3A_131, %reduce_min3A_132 [1] : vector<256x4096xi32> to vector<256xi32>
    %broadcast_in_dim3A_134 = vector.shape_cast %reduce_min3A_133 : vector<256xi32> to vector<256x1xi32>
    %eq3A_135 = vector.broadcast %broadcast_in_dim3A_134 : vector<256x1xi32> to vector<256x4096xi32>
    %eq3A_136 = arith.cmpi eq, %iota3A, %eq3A_135 : vector<256x4096xi32>
    %jit3A_137 = arith.constant 2147483647 : i32
    %broadcast_in_dim3A_138 = vector.broadcast %jit3A_137 : i32 to vector<256x4096xi32>
    %select_n3A_139 = arith.select %eq3A_136, %broadcast_in_dim3A_138, %select_n3A_113 : vector<256x4096xi1>, vector<256x4096xi32>
    %mul3A_140 = arith.constant 4096 : i32
    %mul3A_141 = arith.muli %arg0, %mul3A_140 : i32
    %add3A_142 = vector.broadcast %mul3A_141 : i32 to vector<256x1xi32>
    %add3A_143 = arith.addi %broadcast_in_dim3A_134, %add3A_142 : vector<256x1xi32>
    %swap3A_144 = arith.constant 0 : index
    %swap3A_145 = arith.constant 0 : index
    %swap3A_146 = arith.constant 4 : index
    %swap3A_147 = vector.load %arg4[%swap3A_144, %swap3A_145, %swap3A_146] : memref<1x256x16xi32, #tpu.memory_space<vmem>>, vector<1x256x1xi32>
    %swap3A_148 = vector.shape_cast %swap3A_147 : vector<1x256x1xi32> to vector<256x1xi32>
    %swap3A_149 = vector.shape_cast %add3A_143 : vector<256x1xi32> to vector<1x256x1xi32>
    tpu.vector_store %arg4[%swap3A_144, %swap3A_145, %swap3A_146], %swap3A_149 {strides = array<i32>} : memref<1x256x16xi32, #tpu.memory_space<vmem>>, vector<1x256x1xi32>,
    %reduce_min3A_150 = arith.constant dense<2147483647> : vector<256xi32>
    %reduce_min3A_151 = vector.multi_reduction <minsi>, %select_n3A_139, %reduce_min3A_150 [1] : vector<256x4096xi32> to vector<256xi32>
    %broadcast_in_dim3A_152 = vector.shape_cast %reduce_min3A_151 : vector<256xi32> to vector<256x1xi32>
    %eq3A_153 = vector.broadcast %broadcast_in_dim3A_152 : vector<256x1xi32> to vector<256x4096xi32>
    %eq3A_154 = arith.cmpi eq, %select_n3A_139, %eq3A_153 : vector<256x4096xi32>
    %jit3A_155 = arith.constant 4096 : i32
    %broadcast_in_dim3A_156 = vector.broadcast %jit3A_155 : i32 to vector<256x4096xi32>
    %select_n3A_157 = arith.select %eq3A_154, %iota3A, %broadcast_in_dim3A_156 : vector<256x4096xi1>, vector<256x4096xi32>
    %reduce_min3A_158 = arith.constant dense<2147483647> : vector<256xi32>
    %reduce_min3A_159 = vector.multi_reduction <minsi>, %select_n3A_157, %reduce_min3A_158 [1] : vector<256x4096xi32> to vector<256xi32>
    %broadcast_in_dim3A_160 = vector.shape_cast %reduce_min3A_159 : vector<256xi32> to vector<256x1xi32>
    %eq3A_161 = vector.broadcast %broadcast_in_dim3A_160 : vector<256x1xi32> to vector<256x4096xi32>
    %eq3A_162 = arith.cmpi eq, %iota3A, %eq3A_161 : vector<256x4096xi32>
    %jit3A_163 = arith.constant 2147483647 : i32
    %broadcast_in_dim3A_164 = vector.broadcast %jit3A_163 : i32 to vector<256x4096xi32>
    %select_n3A_165 = arith.select %eq3A_162, %broadcast_in_dim3A_164, %select_n3A_139 : vector<256x4096xi1>, vector<256x4096xi32>
    %mul3A_166 = arith.constant 4096 : i32
    %mul3A_167 = arith.muli %arg0, %mul3A_166 : i32
    %add3A_168 = vector.broadcast %mul3A_167 : i32 to vector<256x1xi32>
    %add3A_169 = arith.addi %broadcast_in_dim3A_160, %add3A_168 : vector<256x1xi32>
    %swap3A_170 = arith.constant 0 : index
    %swap3A_171 = arith.constant 0 : index
    %swap3A_172 = arith.constant 5 : index
    %swap3A_173 = vector.load %arg4[%swap3A_170, %swap3A_171, %swap3A_172] : memref<1x256x16xi32, #tpu.memory_space<vmem>>, vector<1x256x1xi32>
    %swap3A_174 = vector.shape_cast %swap3A_173 : vector<1x256x1xi32> to vector<256x1xi32>
    %swap3A_175 = vector.shape_cast %add3A_169 : vector<256x1xi32> to vector<1x256x1xi32>
    tpu.vector_store %arg4[%swap3A_170, %swap3A_171, %swap3A_172], %swap3A_175 {strides = array<i32>} : memref<1x256x16xi32, #tpu.memory_space<vmem>>, vector<1x256x1xi32>,
    %reduce_min3A_176 = arith.constant dense<2147483647> : vector<256xi32>
    %reduce_min3A_177 = vector.multi_reduction <minsi>, %select_n3A_165, %reduce_min3A_176 [1] : vector<256x4096xi32> to vector<256xi32>
    %broadcast_in_dim3A_178 = vector.shape_cast %reduce_min3A_177 : vector<256xi32> to vector<256x1xi32>
    %eq3A_179 = vector.broadcast %broadcast_in_dim3A_178 : vector<256x1xi32> to vector<256x4096xi32>
    %eq3A_180 = arith.cmpi eq, %select_n3A_165, %eq3A_179 : vector<256x4096xi32>
    %jit3A_181 = arith.constant 4096 : i32
    %broadcast_in_dim3A_182 = vector.broadcast %jit3A_181 : i32 to vector<256x4096xi32>
    %select_n3A_183 = arith.select %eq3A_180, %iota3A, %broadcast_in_dim3A_182 : vector<256x4096xi1>, vector<256x4096xi32>
    %reduce_min3A_184 = arith.constant dense<2147483647> : vector<256xi32>
    %reduce_min3A_185 = vector.multi_reduction <minsi>, %select_n3A_183, %reduce_min3A_184 [1] : vector<256x4096xi32> to vector<256xi32>
    %broadcast_in_dim3A_186 = vector.shape_cast %reduce_min3A_185 : vector<256xi32> to vector<256x1xi32>
    %eq3A_187 = vector.broadcast %broadcast_in_dim3A_186 : vector<256x1xi32> to vector<256x4096xi32>
    %eq3A_188 = arith.cmpi eq, %iota3A, %eq3A_187 : vector<256x4096xi32>
    %jit3A_189 = arith.constant 2147483647 : i32
    %broadcast_in_dim3A_190 = vector.broadcast %jit3A_189 : i32 to vector<256x4096xi32>
    %select_n3A_191 = arith.select %eq3A_188, %broadcast_in_dim3A_190, %select_n3A_165 : vector<256x4096xi1>, vector<256x4096xi32>
    %mul3A_192 = arith.constant 4096 : i32
    %mul3A_193 = arith.muli %arg0, %mul3A_192 : i32
    %add3A_194 = vector.broadcast %mul3A_193 : i32 to vector<256x1xi32>
    %add3A_195 = arith.addi %broadcast_in_dim3A_186, %add3A_194 : vector<256x1xi32>
    %swap3A_196 = arith.constant 0 : index
    %swap3A_197 = arith.constant 0 : index
    %swap3A_198 = arith.constant 6 : index
    %swap3A_199 = vector.load %arg4[%swap3A_196, %swap3A_197, %swap3A_198] : memref<1x256x16xi32, #tpu.memory_space<vmem>>, vector<1x256x1xi32>
    %swap3A_200 = vector.shape_cast %swap3A_199 : vector<1x256x1xi32> to vector<256x1xi32>
    %swap3A_201 = vector.shape_cast %add3A_195 : vector<256x1xi32> to vector<1x256x1xi32>
    tpu.vector_store %arg4[%swap3A_196, %swap3A_197, %swap3A_198], %swap3A_201 {strides = array<i32>} : memref<1x256x16xi32, #tpu.memory_space<vmem>>, vector<1x256x1xi32>,
    %reduce_min3A_202 = arith.constant dense<2147483647> : vector<256xi32>
    %reduce_min3A_203 = vector.multi_reduction <minsi>, %select_n3A_191, %reduce_min3A_202 [1] : vector<256x4096xi32> to vector<256xi32>
    %broadcast_in_dim3A_204 = vector.shape_cast %reduce_min3A_203 : vector<256xi32> to vector<256x1xi32>
    %eq3A_205 = vector.broadcast %broadcast_in_dim3A_204 : vector<256x1xi32> to vector<256x4096xi32>
    %eq3A_206 = arith.cmpi eq, %select_n3A_191, %eq3A_205 : vector<256x4096xi32>
    %jit3A_207 = arith.constant 4096 : i32
    %broadcast_in_dim3A_208 = vector.broadcast %jit3A_207 : i32 to vector<256x4096xi32>
    %select_n3A_209 = arith.select %eq3A_206, %iota3A, %broadcast_in_dim3A_208 : vector<256x4096xi1>, vector<256x4096xi32>
    %reduce_min3A_210 = arith.constant dense<2147483647> : vector<256xi32>
    %reduce_min3A_211 = vector.multi_reduction <minsi>, %select_n3A_209, %reduce_min3A_210 [1] : vector<256x4096xi32> to vector<256xi32>
    %broadcast_in_dim3A_212 = vector.shape_cast %reduce_min3A_211 : vector<256xi32> to vector<256x1xi32>
    %eq3A_213 = vector.broadcast %broadcast_in_dim3A_212 : vector<256x1xi32> to vector<256x4096xi32>
    %eq3A_214 = arith.cmpi eq, %iota3A, %eq3A_213 : vector<256x4096xi32>
    %jit3A_215 = arith.constant 2147483647 : i32
    %broadcast_in_dim3A_216 = vector.broadcast %jit3A_215 : i32 to vector<256x4096xi32>
    %select_n3A_217 = arith.select %eq3A_214, %broadcast_in_dim3A_216, %select_n3A_191 : vector<256x4096xi1>, vector<256x4096xi32>
    %mul3A_218 = arith.constant 4096 : i32
    %mul3A_219 = arith.muli %arg0, %mul3A_218 : i32
    %add3A_220 = vector.broadcast %mul3A_219 : i32 to vector<256x1xi32>
    %add3A_221 = arith.addi %broadcast_in_dim3A_212, %add3A_220 : vector<256x1xi32>
    %swap3A_222 = arith.constant 0 : index
    %swap3A_223 = arith.constant 0 : index
    %swap3A_224 = arith.constant 7 : index
    %swap3A_225 = vector.load %arg4[%swap3A_222, %swap3A_223, %swap3A_224] : memref<1x256x16xi32, #tpu.memory_space<vmem>>, vector<1x256x1xi32>
    %swap3A_226 = vector.shape_cast %swap3A_225 : vector<1x256x1xi32> to vector<256x1xi32>
    %swap3A_227 = vector.shape_cast %add3A_221 : vector<256x1xi32> to vector<1x256x1xi32>
    tpu.vector_store %arg4[%swap3A_222, %swap3A_223, %swap3A_224], %swap3A_227 {strides = array<i32>} : memref<1x256x16xi32, #tpu.memory_space<vmem>>, vector<1x256x1xi32>,
    %reduce_min3A_228 = arith.constant dense<2147483647> : vector<256xi32>
    %reduce_min3A_229 = vector.multi_reduction <minsi>, %select_n3A_217, %reduce_min3A_228 [1] : vector<256x4096xi32> to vector<256xi32>
    %broadcast_in_dim3A_230 = vector.shape_cast %reduce_min3A_229 : vector<256xi32> to vector<256x1xi32>
    %eq3A_231 = vector.broadcast %broadcast_in_dim3A_230 : vector<256x1xi32> to vector<256x4096xi32>
    %eq3A_232 = arith.cmpi eq, %select_n3A_217, %eq3A_231 : vector<256x4096xi32>
    %jit3A_233 = arith.constant 4096 : i32
    %broadcast_in_dim3A_234 = vector.broadcast %jit3A_233 : i32 to vector<256x4096xi32>
    %select_n3A_235 = arith.select %eq3A_232, %iota3A, %broadcast_in_dim3A_234 : vector<256x4096xi1>, vector<256x4096xi32>
    %reduce_min3A_236 = arith.constant dense<2147483647> : vector<256xi32>
    %reduce_min3A_237 = vector.multi_reduction <minsi>, %select_n3A_235, %reduce_min3A_236 [1] : vector<256x4096xi32> to vector<256xi32>
    %broadcast_in_dim3A_238 = vector.shape_cast %reduce_min3A_237 : vector<256xi32> to vector<256x1xi32>
    %eq3A_239 = vector.broadcast %broadcast_in_dim3A_238 : vector<256x1xi32> to vector<256x4096xi32>
    %eq3A_240 = arith.cmpi eq, %iota3A, %eq3A_239 : vector<256x4096xi32>
    %jit3A_241 = arith.constant 2147483647 : i32
    %broadcast_in_dim3A_242 = vector.broadcast %jit3A_241 : i32 to vector<256x4096xi32>
    %select_n3A_243 = arith.select %eq3A_240, %broadcast_in_dim3A_242, %select_n3A_217 : vector<256x4096xi1>, vector<256x4096xi32>
    %mul3A_244 = arith.constant 4096 : i32
    %mul3A_245 = arith.muli %arg0, %mul3A_244 : i32
    %add3A_246 = vector.broadcast %mul3A_245 : i32 to vector<256x1xi32>
    %add3A_247 = arith.addi %broadcast_in_dim3A_238, %add3A_246 : vector<256x1xi32>
    %swap3A_248 = arith.constant 0 : index
    %swap3A_249 = arith.constant 0 : index
    %swap3A_250 = arith.constant 8 : index
    %swap3A_251 = vector.load %arg4[%swap3A_248, %swap3A_249, %swap3A_250] : memref<1x256x16xi32, #tpu.memory_space<vmem>>, vector<1x256x1xi32>
    %swap3A_252 = vector.shape_cast %swap3A_251 : vector<1x256x1xi32> to vector<256x1xi32>
    %swap3A_253 = vector.shape_cast %add3A_247 : vector<256x1xi32> to vector<1x256x1xi32>
    tpu.vector_store %arg4[%swap3A_248, %swap3A_249, %swap3A_250], %swap3A_253 {strides = array<i32>} : memref<1x256x16xi32, #tpu.memory_space<vmem>>, vector<1x256x1xi32>,
    %reduce_min3A_254 = arith.constant dense<2147483647> : vector<256xi32>
    %reduce_min3A_255 = vector.multi_reduction <minsi>, %select_n3A_243, %reduce_min3A_254 [1] : vector<256x4096xi32> to vector<256xi32>
    %broadcast_in_dim3A_256 = vector.shape_cast %reduce_min3A_255 : vector<256xi32> to vector<256x1xi32>
    %eq3A_257 = vector.broadcast %broadcast_in_dim3A_256 : vector<256x1xi32> to vector<256x4096xi32>
    %eq3A_258 = arith.cmpi eq, %select_n3A_243, %eq3A_257 : vector<256x4096xi32>
    %jit3A_259 = arith.constant 4096 : i32
    %broadcast_in_dim3A_260 = vector.broadcast %jit3A_259 : i32 to vector<256x4096xi32>
    %select_n3A_261 = arith.select %eq3A_258, %iota3A, %broadcast_in_dim3A_260 : vector<256x4096xi1>, vector<256x4096xi32>
    %reduce_min3A_262 = arith.constant dense<2147483647> : vector<256xi32>
    %reduce_min3A_263 = vector.multi_reduction <minsi>, %select_n3A_261, %reduce_min3A_262 [1] : vector<256x4096xi32> to vector<256xi32>
    %broadcast_in_dim3A_264 = vector.shape_cast %reduce_min3A_263 : vector<256xi32> to vector<256x1xi32>
    %eq3A_265 = vector.broadcast %broadcast_in_dim3A_264 : vector<256x1xi32> to vector<256x4096xi32>
    %eq3A_266 = arith.cmpi eq, %iota3A, %eq3A_265 : vector<256x4096xi32>
    %jit3A_267 = arith.constant 2147483647 : i32
    %broadcast_in_dim3A_268 = vector.broadcast %jit3A_267 : i32 to vector<256x4096xi32>
    %select_n3A_269 = arith.select %eq3A_266, %broadcast_in_dim3A_268, %select_n3A_243 : vector<256x4096xi1>, vector<256x4096xi32>
    %mul3A_270 = arith.constant 4096 : i32
    %mul3A_271 = arith.muli %arg0, %mul3A_270 : i32
    %add3A_272 = vector.broadcast %mul3A_271 : i32 to vector<256x1xi32>
    %add3A_273 = arith.addi %broadcast_in_dim3A_264, %add3A_272 : vector<256x1xi32>
    %swap3A_274 = arith.constant 0 : index
    %swap3A_275 = arith.constant 0 : index
    %swap3A_276 = arith.constant 9 : index
    %swap3A_277 = vector.load %arg4[%swap3A_274, %swap3A_275, %swap3A_276] : memref<1x256x16xi32, #tpu.memory_space<vmem>>, vector<1x256x1xi32>
    %swap3A_278 = vector.shape_cast %swap3A_277 : vector<1x256x1xi32> to vector<256x1xi32>
    %swap3A_279 = vector.shape_cast %add3A_273 : vector<256x1xi32> to vector<1x256x1xi32>
    tpu.vector_store %arg4[%swap3A_274, %swap3A_275, %swap3A_276], %swap3A_279 {strides = array<i32>} : memref<1x256x16xi32, #tpu.memory_space<vmem>>, vector<1x256x1xi32>,
    %reduce_min3A_280 = arith.constant dense<2147483647> : vector<256xi32>
    %reduce_min3A_281 = vector.multi_reduction <minsi>, %select_n3A_269, %reduce_min3A_280 [1] : vector<256x4096xi32> to vector<256xi32>
    %broadcast_in_dim3A_282 = vector.shape_cast %reduce_min3A_281 : vector<256xi32> to vector<256x1xi32>
    %eq3A_283 = vector.broadcast %broadcast_in_dim3A_282 : vector<256x1xi32> to vector<256x4096xi32>
    %eq3A_284 = arith.cmpi eq, %select_n3A_269, %eq3A_283 : vector<256x4096xi32>
    %jit3A_285 = arith.constant 4096 : i32
    %broadcast_in_dim3A_286 = vector.broadcast %jit3A_285 : i32 to vector<256x4096xi32>
    %select_n3A_287 = arith.select %eq3A_284, %iota3A, %broadcast_in_dim3A_286 : vector<256x4096xi1>, vector<256x4096xi32>
    %reduce_min3A_288 = arith.constant dense<2147483647> : vector<256xi32>
    %reduce_min3A_289 = vector.multi_reduction <minsi>, %select_n3A_287, %reduce_min3A_288 [1] : vector<256x4096xi32> to vector<256xi32>
    %broadcast_in_dim3A_290 = vector.shape_cast %reduce_min3A_289 : vector<256xi32> to vector<256x1xi32>
    %eq3A_291 = vector.broadcast %broadcast_in_dim3A_290 : vector<256x1xi32> to vector<256x4096xi32>
    %eq3A_292 = arith.cmpi eq, %iota3A, %eq3A_291 : vector<256x4096xi32>
    %jit3A_293 = arith.constant 2147483647 : i32
    %broadcast_in_dim3A_294 = vector.broadcast %jit3A_293 : i32 to vector<256x4096xi32>
    %select_n3A_295 = arith.select %eq3A_292, %broadcast_in_dim3A_294, %select_n3A_269 : vector<256x4096xi1>, vector<256x4096xi32>
    %mul3A_296 = arith.constant 4096 : i32
    %mul3A_297 = arith.muli %arg0, %mul3A_296 : i32
    %add3A_298 = vector.broadcast %mul3A_297 : i32 to vector<256x1xi32>
    %add3A_299 = arith.addi %broadcast_in_dim3A_290, %add3A_298 : vector<256x1xi32>
    %swap3A_300 = arith.constant 0 : index
    %swap3A_301 = arith.constant 0 : index
    %swap3A_302 = arith.constant 10 : index
    %swap3A_303 = vector.load %arg4[%swap3A_300, %swap3A_301, %swap3A_302] : memref<1x256x16xi32, #tpu.memory_space<vmem>>, vector<1x256x1xi32>
    %swap3A_304 = vector.shape_cast %swap3A_303 : vector<1x256x1xi32> to vector<256x1xi32>
    %swap3A_305 = vector.shape_cast %add3A_299 : vector<256x1xi32> to vector<1x256x1xi32>
    tpu.vector_store %arg4[%swap3A_300, %swap3A_301, %swap3A_302], %swap3A_305 {strides = array<i32>} : memref<1x256x16xi32, #tpu.memory_space<vmem>>, vector<1x256x1xi32>,
    %reduce_min3A_306 = arith.constant dense<2147483647> : vector<256xi32>
    %reduce_min3A_307 = vector.multi_reduction <minsi>, %select_n3A_295, %reduce_min3A_306 [1] : vector<256x4096xi32> to vector<256xi32>
    %broadcast_in_dim3A_308 = vector.shape_cast %reduce_min3A_307 : vector<256xi32> to vector<256x1xi32>
    %eq3A_309 = vector.broadcast %broadcast_in_dim3A_308 : vector<256x1xi32> to vector<256x4096xi32>
    %eq3A_310 = arith.cmpi eq, %select_n3A_295, %eq3A_309 : vector<256x4096xi32>
    %jit3A_311 = arith.constant 4096 : i32
    %broadcast_in_dim3A_312 = vector.broadcast %jit3A_311 : i32 to vector<256x4096xi32>
    %select_n3A_313 = arith.select %eq3A_310, %iota3A, %broadcast_in_dim3A_312 : vector<256x4096xi1>, vector<256x4096xi32>
    %reduce_min3A_314 = arith.constant dense<2147483647> : vector<256xi32>
    %reduce_min3A_315 = vector.multi_reduction <minsi>, %select_n3A_313, %reduce_min3A_314 [1] : vector<256x4096xi32> to vector<256xi32>
    %broadcast_in_dim3A_316 = vector.shape_cast %reduce_min3A_315 : vector<256xi32> to vector<256x1xi32>
    %eq3A_317 = vector.broadcast %broadcast_in_dim3A_316 : vector<256x1xi32> to vector<256x4096xi32>
    %eq3A_318 = arith.cmpi eq, %iota3A, %eq3A_317 : vector<256x4096xi32>
    %jit3A_319 = arith.constant 2147483647 : i32
    %broadcast_in_dim3A_320 = vector.broadcast %jit3A_319 : i32 to vector<256x4096xi32>
    %select_n3A_321 = arith.select %eq3A_318, %broadcast_in_dim3A_320, %select_n3A_295 : vector<256x4096xi1>, vector<256x4096xi32>
    %mul3A_322 = arith.constant 4096 : i32
    %mul3A_323 = arith.muli %arg0, %mul3A_322 : i32
    %add3A_324 = vector.broadcast %mul3A_323 : i32 to vector<256x1xi32>
    %add3A_325 = arith.addi %broadcast_in_dim3A_316, %add3A_324 : vector<256x1xi32>
    %swap3A_326 = arith.constant 0 : index
    %swap3A_327 = arith.constant 0 : index
    %swap3A_328 = arith.constant 11 : index
    %swap3A_329 = vector.load %arg4[%swap3A_326, %swap3A_327, %swap3A_328] : memref<1x256x16xi32, #tpu.memory_space<vmem>>, vector<1x256x1xi32>
    %swap3A_330 = vector.shape_cast %swap3A_329 : vector<1x256x1xi32> to vector<256x1xi32>
    %swap3A_331 = vector.shape_cast %add3A_325 : vector<256x1xi32> to vector<1x256x1xi32>
    tpu.vector_store %arg4[%swap3A_326, %swap3A_327, %swap3A_328], %swap3A_331 {strides = array<i32>} : memref<1x256x16xi32, #tpu.memory_space<vmem>>, vector<1x256x1xi32>,
    %reduce_min3A_332 = arith.constant dense<2147483647> : vector<256xi32>
    %reduce_min3A_333 = vector.multi_reduction <minsi>, %select_n3A_321, %reduce_min3A_332 [1] : vector<256x4096xi32> to vector<256xi32>
    %broadcast_in_dim3A_334 = vector.shape_cast %reduce_min3A_333 : vector<256xi32> to vector<256x1xi32>
    %eq3A_335 = vector.broadcast %broadcast_in_dim3A_334 : vector<256x1xi32> to vector<256x4096xi32>
    %eq3A_336 = arith.cmpi eq, %select_n3A_321, %eq3A_335 : vector<256x4096xi32>
    %jit3A_337 = arith.constant 4096 : i32
    %broadcast_in_dim3A_338 = vector.broadcast %jit3A_337 : i32 to vector<256x4096xi32>
    %select_n3A_339 = arith.select %eq3A_336, %iota3A, %broadcast_in_dim3A_338 : vector<256x4096xi1>, vector<256x4096xi32>
    %reduce_min3A_340 = arith.constant dense<2147483647> : vector<256xi32>
    %reduce_min3A_341 = vector.multi_reduction <minsi>, %select_n3A_339, %reduce_min3A_340 [1] : vector<256x4096xi32> to vector<256xi32>
    %broadcast_in_dim3A_342 = vector.shape_cast %reduce_min3A_341 : vector<256xi32> to vector<256x1xi32>
    %eq3A_343 = vector.broadcast %broadcast_in_dim3A_342 : vector<256x1xi32> to vector<256x4096xi32>
    %eq3A_344 = arith.cmpi eq, %iota3A, %eq3A_343 : vector<256x4096xi32>
    %jit3A_345 = arith.constant 2147483647 : i32
    %broadcast_in_dim3A_346 = vector.broadcast %jit3A_345 : i32 to vector<256x4096xi32>
    %select_n3A_347 = arith.select %eq3A_344, %broadcast_in_dim3A_346, %select_n3A_321 : vector<256x4096xi1>, vector<256x4096xi32>
    %mul3A_348 = arith.constant 4096 : i32
    %mul3A_349 = arith.muli %arg0, %mul3A_348 : i32
    %add3A_350 = vector.broadcast %mul3A_349 : i32 to vector<256x1xi32>
    %add3A_351 = arith.addi %broadcast_in_dim3A_342, %add3A_350 : vector<256x1xi32>
    %swap3A_352 = arith.constant 0 : index
    %swap3A_353 = arith.constant 0 : index
    %swap3A_354 = arith.constant 12 : index
    %swap3A_355 = vector.load %arg4[%swap3A_352, %swap3A_353, %swap3A_354] : memref<1x256x16xi32, #tpu.memory_space<vmem>>, vector<1x256x1xi32>
    %swap3A_356 = vector.shape_cast %swap3A_355 : vector<1x256x1xi32> to vector<256x1xi32>
    %swap3A_357 = vector.shape_cast %add3A_351 : vector<256x1xi32> to vector<1x256x1xi32>
    tpu.vector_store %arg4[%swap3A_352, %swap3A_353, %swap3A_354], %swap3A_357 {strides = array<i32>} : memref<1x256x16xi32, #tpu.memory_space<vmem>>, vector<1x256x1xi32>,
    %reduce_min3A_358 = arith.constant dense<2147483647> : vector<256xi32>
    %reduce_min3A_359 = vector.multi_reduction <minsi>, %select_n3A_347, %reduce_min3A_358 [1] : vector<256x4096xi32> to vector<256xi32>
    %broadcast_in_dim3A_360 = vector.shape_cast %reduce_min3A_359 : vector<256xi32> to vector<256x1xi32>
    %eq3A_361 = vector.broadcast %broadcast_in_dim3A_360 : vector<256x1xi32> to vector<256x4096xi32>
    %eq3A_362 = arith.cmpi eq, %select_n3A_347, %eq3A_361 : vector<256x4096xi32>
    %jit3A_363 = arith.constant 4096 : i32
    %broadcast_in_dim3A_364 = vector.broadcast %jit3A_363 : i32 to vector<256x4096xi32>
    %select_n3A_365 = arith.select %eq3A_362, %iota3A, %broadcast_in_dim3A_364 : vector<256x4096xi1>, vector<256x4096xi32>
    %reduce_min3A_366 = arith.constant dense<2147483647> : vector<256xi32>
    %reduce_min3A_367 = vector.multi_reduction <minsi>, %select_n3A_365, %reduce_min3A_366 [1] : vector<256x4096xi32> to vector<256xi32>
    %broadcast_in_dim3A_368 = vector.shape_cast %reduce_min3A_367 : vector<256xi32> to vector<256x1xi32>
    %eq3A_369 = vector.broadcast %broadcast_in_dim3A_368 : vector<256x1xi32> to vector<256x4096xi32>
    %eq3A_370 = arith.cmpi eq, %iota3A, %eq3A_369 : vector<256x4096xi32>
    %jit3A_371 = arith.constant 2147483647 : i32
    %broadcast_in_dim3A_372 = vector.broadcast %jit3A_371 : i32 to vector<256x4096xi32>
    %select_n3A_373 = arith.select %eq3A_370, %broadcast_in_dim3A_372, %select_n3A_347 : vector<256x4096xi1>, vector<256x4096xi32>
    %mul3A_374 = arith.constant 4096 : i32
    %mul3A_375 = arith.muli %arg0, %mul3A_374 : i32
    %add3A_376 = vector.broadcast %mul3A_375 : i32 to vector<256x1xi32>
    %add3A_377 = arith.addi %broadcast_in_dim3A_368, %add3A_376 : vector<256x1xi32>
    %swap3A_378 = arith.constant 0 : index
    %swap3A_379 = arith.constant 0 : index
    %swap3A_380 = arith.constant 13 : index
    %swap3A_381 = vector.load %arg4[%swap3A_378, %swap3A_379, %swap3A_380] : memref<1x256x16xi32, #tpu.memory_space<vmem>>, vector<1x256x1xi32>
    %swap3A_382 = vector.shape_cast %swap3A_381 : vector<1x256x1xi32> to vector<256x1xi32>
    %swap3A_383 = vector.shape_cast %add3A_377 : vector<256x1xi32> to vector<1x256x1xi32>
    tpu.vector_store %arg4[%swap3A_378, %swap3A_379, %swap3A_380], %swap3A_383 {strides = array<i32>} : memref<1x256x16xi32, #tpu.memory_space<vmem>>, vector<1x256x1xi32>,
    %reduce_min3A_384 = arith.constant dense<2147483647> : vector<256xi32>
    %reduce_min3A_385 = vector.multi_reduction <minsi>, %select_n3A_373, %reduce_min3A_384 [1] : vector<256x4096xi32> to vector<256xi32>
    %broadcast_in_dim3A_386 = vector.shape_cast %reduce_min3A_385 : vector<256xi32> to vector<256x1xi32>
    %eq3A_387 = vector.broadcast %broadcast_in_dim3A_386 : vector<256x1xi32> to vector<256x4096xi32>
    %eq3A_388 = arith.cmpi eq, %select_n3A_373, %eq3A_387 : vector<256x4096xi32>
    %jit3A_389 = arith.constant 4096 : i32
    %broadcast_in_dim3A_390 = vector.broadcast %jit3A_389 : i32 to vector<256x4096xi32>
    %select_n3A_391 = arith.select %eq3A_388, %iota3A, %broadcast_in_dim3A_390 : vector<256x4096xi1>, vector<256x4096xi32>
    %reduce_min3A_392 = arith.constant dense<2147483647> : vector<256xi32>
    %reduce_min3A_393 = vector.multi_reduction <minsi>, %select_n3A_391, %reduce_min3A_392 [1] : vector<256x4096xi32> to vector<256xi32>
    %broadcast_in_dim3A_394 = vector.shape_cast %reduce_min3A_393 : vector<256xi32> to vector<256x1xi32>
    %eq3A_395 = vector.broadcast %broadcast_in_dim3A_394 : vector<256x1xi32> to vector<256x4096xi32>
    %eq3A_396 = arith.cmpi eq, %iota3A, %eq3A_395 : vector<256x4096xi32>
    %jit3A_397 = arith.constant 2147483647 : i32
    %broadcast_in_dim3A_398 = vector.broadcast %jit3A_397 : i32 to vector<256x4096xi32>
    %select_n3A_399 = arith.select %eq3A_396, %broadcast_in_dim3A_398, %select_n3A_373 : vector<256x4096xi1>, vector<256x4096xi32>
    %mul3A_400 = arith.constant 4096 : i32
    %mul3A_401 = arith.muli %arg0, %mul3A_400 : i32
    %add3A_402 = vector.broadcast %mul3A_401 : i32 to vector<256x1xi32>
    %add3A_403 = arith.addi %broadcast_in_dim3A_394, %add3A_402 : vector<256x1xi32>
    %swap3A_404 = arith.constant 0 : index
    %swap3A_405 = arith.constant 0 : index
    %swap3A_406 = arith.constant 14 : index
    %swap3A_407 = vector.load %arg4[%swap3A_404, %swap3A_405, %swap3A_406] : memref<1x256x16xi32, #tpu.memory_space<vmem>>, vector<1x256x1xi32>
    %swap3A_408 = vector.shape_cast %swap3A_407 : vector<1x256x1xi32> to vector<256x1xi32>
    %swap3A_409 = vector.shape_cast %add3A_403 : vector<256x1xi32> to vector<1x256x1xi32>
    tpu.vector_store %arg4[%swap3A_404, %swap3A_405, %swap3A_406], %swap3A_409 {strides = array<i32>} : memref<1x256x16xi32, #tpu.memory_space<vmem>>, vector<1x256x1xi32>,
    %reduce_min3A_410 = arith.constant dense<2147483647> : vector<256xi32>
    %reduce_min3A_411 = vector.multi_reduction <minsi>, %select_n3A_399, %reduce_min3A_410 [1] : vector<256x4096xi32> to vector<256xi32>
    %broadcast_in_dim3A_412 = vector.shape_cast %reduce_min3A_411 : vector<256xi32> to vector<256x1xi32>
    %eq3A_413 = vector.broadcast %broadcast_in_dim3A_412 : vector<256x1xi32> to vector<256x4096xi32>
    %eq3A_414 = arith.cmpi eq, %select_n3A_399, %eq3A_413 : vector<256x4096xi32>
    %jit3A_415 = arith.constant 4096 : i32
    %broadcast_in_dim3A_416 = vector.broadcast %jit3A_415 : i32 to vector<256x4096xi32>
    %select_n3A_417 = arith.select %eq3A_414, %iota3A, %broadcast_in_dim3A_416 : vector<256x4096xi1>, vector<256x4096xi32>
    %reduce_min3A_418 = arith.constant dense<2147483647> : vector<256xi32>
    %reduce_min3A_419 = vector.multi_reduction <minsi>, %select_n3A_417, %reduce_min3A_418 [1] : vector<256x4096xi32> to vector<256xi32>
    %broadcast_in_dim3A_420 = vector.shape_cast %reduce_min3A_419 : vector<256xi32> to vector<256x1xi32>
    %mul3A_421 = arith.constant 4096 : i32
    %mul3A_422 = arith.muli %arg0, %mul3A_421 : i32
    %add3A_423 = vector.broadcast %mul3A_422 : i32 to vector<256x1xi32>
    %add3A_424 = arith.addi %broadcast_in_dim3A_420, %add3A_423 : vector<256x1xi32>
    %swap3A_425 = arith.constant 0 : index
    %swap3A_426 = arith.constant 0 : index
    %swap3A_427 = arith.constant 15 : index
    %swap3A_428 = vector.load %arg4[%swap3A_425, %swap3A_426, %swap3A_427] : memref<1x256x16xi32, #tpu.memory_space<vmem>>, vector<1x256x1xi32>
    %swap3A_429 = vector.shape_cast %swap3A_428 : vector<1x256x1xi32> to vector<256x1xi32>
    %swap3A_430 = vector.shape_cast %add3A_424 : vector<256x1xi32> to vector<1x256x1xi32>
    tpu.vector_store %arg4[%swap3A_425, %swap3A_426, %swap3A_427], %swap3A_430 {strides = array<i32>} : memref<1x256x16xi32, #tpu.memory_space<vmem>>, vector<1x256x1xi32>,
    return
  }
  func.func @transform_0(%arg0: i32, %arg1: i32) -> (i32, i32, i32) {
    %c0_i32 = arith.constant 0 : i32
    %c0_i32_0 = arith.constant 0 : i32
    return %arg0, %arg1, %c0_i32 : i32, i32, i32
  }
  func.func @transform_1(%arg0: i32, %arg1: i32) -> (i32, i32, i32) {
    %c0_i32 = arith.constant 0 : i32
    %c0_i32_0 = arith.constant 0 : i32
    %c0_i32_1 = arith.constant 0 : i32
    return %arg0, %c0_i32, %c0_i32_0 : i32, i32, i32
  }
  func.func @transform_2(%arg0: i32, %arg1: i32) -> (i32, i32, i32) {
    %c0_i32 = arith.constant 0 : i32
    %c0_i32_0 = arith.constant 0 : i32
    return %arg0, %arg1, %c0_i32 : i32, i32, i32
  }
}

module attributes {stable_mosaic.version = 14 : i64} {
  func.func @_mlp1_body(%arg0: memref<16384x3xf32, #tpu.memory_space<vmem>>, %arg1: memref<32x3xf32, #tpu.memory_space<vmem>>, %arg2: memref<32xf32, #tpu.memory_space<vmem>>, %arg3: memref<32xf32, #tpu.memory_space<vmem>>, %arg4: memref<32xf32, #tpu.memory_space<vmem>>, %arg5: memref<64x32xf32, #tpu.memory_space<vmem>>, %arg6: memref<64xf32, #tpu.memory_space<vmem>>, %arg7: memref<16384x128xf32, #tpu.memory_space<vmem>>) attributes {dimension_semantics = [], scalar_prefetch = 0 : i64, scratch_operands = 0 : i64, tpu.core_type = #tpu.core_type<tc>} {
    %get3A = arith.constant 0 : index
    %get3A_0 = arith.constant 0 : index
    %get3A_1 = vector.load %arg0[%get3A, %get3A_0] : memref<16384x3xf32, #tpu.memory_space<vmem>>, vector<16384x3xf32>
    %get3A_2 = arith.constant 0 : index
    %get3A_3 = arith.constant 0 : index
    %get3A_4 = vector.load %arg1[%get3A_2, %get3A_3] : memref<32x3xf32, #tpu.memory_space<vmem>>, vector<32x3xf32>
    %transpose3A = tpu.transpose %get3A_4, [1, 0] : vector<32x3xf32> -> vector<3x32xf32>
    %dot_general3A = arith.constant dense<0.000000e+00> : vector<16384x32xf32>
    %dot_general3A_5 = tpu.matmul %get3A_1, %transpose3A, %dot_general3A {dimension_numbers = #tpu.dot_dimension_numbers<[1], [0], [0], [1], [0, 0, 1, 1], [], []>, transpose_lhs_hint = false} : vector<16384x3xf32>, vector<3x32xf32>, vector<16384x32xf32> -> vector<16384x32xf32>
    %get3A_6 = arith.constant 0 : index
    %get3A_7 = vector.load %arg2[%get3A_6] : memref<32xf32, #tpu.memory_space<vmem>>, vector<32xf32>
    %broadcast_in_dim3A = vector.shape_cast %get3A_7 : vector<32xf32> to vector<1x32xf32>
    %add3A = vector.broadcast %broadcast_in_dim3A : vector<1x32xf32> to vector<16384x32xf32>
    %add3A_8 = arith.addf %dot_general3A_5, %add3A : vector<16384x32xf32>
    %reduce_sum3A = arith.constant dense<0.000000e+00> : vector<32xf32>
    %reduce_sum3A_9 = vector.multi_reduction <add>, %add3A_8, %reduce_sum3A [0] : vector<16384x32xf32> to vector<32xf32>
    %broadcast_in_dim3A_10 = vector.shape_cast %reduce_sum3A_9 : vector<32xf32> to vector<1x32xf32>
    %div3A = arith.constant 1.638400e+04 : f32
    %div3A_11 = vector.broadcast %div3A : f32 to vector<1x32xf32>
    %div3A_12 = arith.divf %broadcast_in_dim3A_10, %div3A_11 : vector<1x32xf32>
    %sub3A = vector.broadcast %div3A_12 : vector<1x32xf32> to vector<16384x32xf32>
    %sub3A_13 = arith.subf %add3A_8, %sub3A : vector<16384x32xf32>
    %integer_pow3A = arith.mulf %sub3A_13, %sub3A_13 : vector<16384x32xf32>
    %reduce_sum3A_14 = arith.constant dense<0.000000e+00> : vector<32xf32>
    %reduce_sum3A_15 = vector.multi_reduction <add>, %integer_pow3A, %reduce_sum3A_14 [0] : vector<16384x32xf32> to vector<32xf32>
    %broadcast_in_dim3A_16 = vector.shape_cast %reduce_sum3A_15 : vector<32xf32> to vector<1x32xf32>
    %div3A_17 = arith.constant 1.638400e+04 : f32
    %div3A_18 = vector.broadcast %div3A_17 : f32 to vector<1x32xf32>
    %div3A_19 = arith.divf %broadcast_in_dim3A_16, %div3A_18 : vector<1x32xf32>
    %get3A_20 = arith.constant 0 : index
    %get3A_21 = vector.load %arg3[%get3A_20] : memref<32xf32, #tpu.memory_space<vmem>>, vector<32xf32>
    %broadcast_in_dim3A_22 = vector.shape_cast %get3A_21 : vector<32xf32> to vector<1x32xf32>
    %sub3A_23 = vector.broadcast %div3A_12 : vector<1x32xf32> to vector<16384x32xf32>
    %sub3A_24 = arith.subf %add3A_8, %sub3A_23 : vector<16384x32xf32>
    %mul3A = vector.broadcast %broadcast_in_dim3A_22 : vector<1x32xf32> to vector<16384x32xf32>
    %mul3A_25 = arith.mulf %mul3A, %sub3A_24 : vector<16384x32xf32>
    %add3A_26 = arith.constant 9.99999974E-6 : f32
    %add3A_27 = vector.broadcast %add3A_26 : f32 to vector<1x32xf32>
    %add3A_28 = arith.addf %div3A_19, %add3A_27 : vector<1x32xf32>
    %sqrt3A = math.sqrt %add3A_28 : vector<1x32xf32>
    %div3A_29 = vector.broadcast %sqrt3A : vector<1x32xf32> to vector<16384x32xf32>
    %div3A_30 = arith.divf %mul3A_25, %div3A_29 : vector<16384x32xf32>
    %get3A_31 = arith.constant 0 : index
    %get3A_32 = vector.load %arg4[%get3A_31] : memref<32xf32, #tpu.memory_space<vmem>>, vector<32xf32>
    %broadcast_in_dim3A_33 = vector.shape_cast %get3A_32 : vector<32xf32> to vector<1x32xf32>
    %add3A_34 = vector.broadcast %broadcast_in_dim3A_33 : vector<1x32xf32> to vector<16384x32xf32>
    %add3A_35 = arith.addf %div3A_30, %add3A_34 : vector<16384x32xf32>
    %max3A = arith.constant 0.000000e+00 : f32
    %max3A_36 = vector.broadcast %max3A : f32 to vector<16384x32xf32>
    %max3A_37 = arith.maximumf %add3A_35, %max3A_36 : vector<16384x32xf32>
    %get3A_38 = arith.constant 0 : index
    %get3A_39 = arith.constant 0 : index
    %get3A_40 = vector.load %arg5[%get3A_38, %get3A_39] : memref<64x32xf32, #tpu.memory_space<vmem>>, vector<64x32xf32>
    %transpose3A_41 = tpu.transpose %get3A_40, [1, 0] : vector<64x32xf32> -> vector<32x64xf32>
    %dot_general3A_42 = arith.constant dense<0.000000e+00> : vector<16384x64xf32>
    %dot_general3A_43 = tpu.matmul %max3A_37, %transpose3A_41, %dot_general3A_42 {dimension_numbers = #tpu.dot_dimension_numbers<[1], [0], [0], [1], [0, 0, 1, 1], [], []>, transpose_lhs_hint = false} : vector<16384x32xf32>, vector<32x64xf32>, vector<16384x64xf32> -> vector<16384x64xf32>
    %get3A_44 = arith.constant 0 : index
    %get3A_45 = vector.load %arg6[%get3A_44] : memref<64xf32, #tpu.memory_space<vmem>>, vector<64xf32>
    %broadcast_in_dim3A_46 = vector.shape_cast %get3A_45 : vector<64xf32> to vector<1x64xf32>
    %add3A_47 = vector.broadcast %broadcast_in_dim3A_46 : vector<1x64xf32> to vector<16384x64xf32>
    %add3A_48 = arith.addf %dot_general3A_43, %add3A_47 : vector<16384x64xf32>
    %broadcast_in_dim3A_49 = arith.constant 0.000000e+00 : f32
    %broadcast_in_dim3A_50 = vector.broadcast %broadcast_in_dim3A_49 : f32 to vector<16384x61xf32>
    %concatenate3A = tpu.concatenate %add3A_48, %get3A_1, %broadcast_in_dim3A_50 in 1 : vector<16384x64xf32>, vector<16384x3xf32>, vector<16384x61xf32> -> vector<16384x128xf32>
    %swap3A = arith.constant 0 : index
    %swap3A_51 = arith.constant 0 : index
    %swap3A_52 = vector.load %arg7[%swap3A, %swap3A_51] : memref<16384x128xf32, #tpu.memory_space<vmem>>, vector<16384x128xf32>
    tpu.vector_store %arg7[%swap3A, %swap3A_51], %concatenate3A {strides = array<i32>} : memref<16384x128xf32, #tpu.memory_space<vmem>>, vector<16384x128xf32>,
    return
  }
}

module attributes {stable_mosaic.version = 14 : i64} {
  func.func @_mlp2_body(%arg0: memref<8192x128xf32, #tpu.memory_space<vmem>>, %arg1: memref<8192x3xf32, #tpu.memory_space<vmem>>, %arg2: memref<128x64xf32, #tpu.memory_space<vmem>>, %arg3: memref<3x64xf32, #tpu.memory_space<vmem>>, %arg4: memref<64xf32, #tpu.memory_space<vmem>>, %arg5: memref<64xf32, #tpu.memory_space<vmem>>, %arg6: memref<64xf32, #tpu.memory_space<vmem>>, %arg7: memref<64x64xf32, #tpu.memory_space<vmem>>, %arg8: memref<64xf32, #tpu.memory_space<vmem>>, %arg9: memref<8192x64xf32, #tpu.memory_space<vmem>>) attributes {dimension_semantics = [], scalar_prefetch = 0 : i64, scratch_operands = 0 : i64, tpu.core_type = #tpu.core_type<tc>} {
    %get3A = arith.constant 0 : index
    %get3A_0 = arith.constant 0 : index
    %get3A_1 = vector.load %arg0[%get3A, %get3A_0] : memref<8192x128xf32, #tpu.memory_space<vmem>>, vector<8192x128xf32>
    %get3A_2 = arith.constant 0 : index
    %get3A_3 = arith.constant 0 : index
    %get3A_4 = vector.load %arg1[%get3A_2, %get3A_3] : memref<8192x3xf32, #tpu.memory_space<vmem>>, vector<8192x3xf32>
    %get3A_5 = arith.constant 0 : index
    %get3A_6 = arith.constant 0 : index
    %get3A_7 = vector.load %arg2[%get3A_5, %get3A_6] : memref<128x64xf32, #tpu.memory_space<vmem>>, vector<128x64xf32>
    %dot_general3A = arith.constant dense<0.000000e+00> : vector<8192x64xf32>
    %dot_general3A_8 = tpu.matmul %get3A_1, %get3A_7, %dot_general3A {dimension_numbers = #tpu.dot_dimension_numbers<[1], [0], [0], [1], [0, 0, 1, 1], [], []>, transpose_lhs_hint = false} : vector<8192x128xf32>, vector<128x64xf32>, vector<8192x64xf32> -> vector<8192x64xf32>
    %get3A_9 = arith.constant 0 : index
    %get3A_10 = arith.constant 0 : index
    %get3A_11 = vector.load %arg3[%get3A_9, %get3A_10] : memref<3x64xf32, #tpu.memory_space<vmem>>, vector<3x64xf32>
    %dot_general3A_12 = arith.constant dense<0.000000e+00> : vector<8192x64xf32>
    %dot_general3A_13 = tpu.matmul %get3A_4, %get3A_11, %dot_general3A_12 {dimension_numbers = #tpu.dot_dimension_numbers<[1], [0], [0], [1], [0, 0, 1, 1], [], []>, transpose_lhs_hint = false} : vector<8192x3xf32>, vector<3x64xf32>, vector<8192x64xf32> -> vector<8192x64xf32>
    %sub3A = arith.subf %dot_general3A_8, %dot_general3A_13 : vector<8192x64xf32>
    %get3A_14 = arith.constant 0 : index
    %get3A_15 = vector.load %arg4[%get3A_14] : memref<64xf32, #tpu.memory_space<vmem>>, vector<64xf32>
    %broadcast_in_dim3A = vector.shape_cast %get3A_15 : vector<64xf32> to vector<1x64xf32>
    %add3A = vector.broadcast %broadcast_in_dim3A : vector<1x64xf32> to vector<8192x64xf32>
    %add3A_16 = arith.addf %sub3A, %add3A : vector<8192x64xf32>
    %reduce_sum3A = arith.constant dense<0.000000e+00> : vector<64xf32>
    %reduce_sum3A_17 = vector.multi_reduction <add>, %add3A_16, %reduce_sum3A [0] : vector<8192x64xf32> to vector<64xf32>
    %broadcast_in_dim3A_18 = vector.shape_cast %reduce_sum3A_17 : vector<64xf32> to vector<1x64xf32>
    %div3A = arith.constant 8.192000e+03 : f32
    %div3A_19 = vector.broadcast %div3A : f32 to vector<1x64xf32>
    %div3A_20 = arith.divf %broadcast_in_dim3A_18, %div3A_19 : vector<1x64xf32>
    %sub3A_21 = vector.broadcast %div3A_20 : vector<1x64xf32> to vector<8192x64xf32>
    %sub3A_22 = arith.subf %add3A_16, %sub3A_21 : vector<8192x64xf32>
    %integer_pow3A = arith.mulf %sub3A_22, %sub3A_22 : vector<8192x64xf32>
    %reduce_sum3A_23 = arith.constant dense<0.000000e+00> : vector<64xf32>
    %reduce_sum3A_24 = vector.multi_reduction <add>, %integer_pow3A, %reduce_sum3A_23 [0] : vector<8192x64xf32> to vector<64xf32>
    %broadcast_in_dim3A_25 = vector.shape_cast %reduce_sum3A_24 : vector<64xf32> to vector<1x64xf32>
    %div3A_26 = arith.constant 8.192000e+03 : f32
    %div3A_27 = vector.broadcast %div3A_26 : f32 to vector<1x64xf32>
    %div3A_28 = arith.divf %broadcast_in_dim3A_25, %div3A_27 : vector<1x64xf32>
    %get3A_29 = arith.constant 0 : index
    %get3A_30 = vector.load %arg5[%get3A_29] : memref<64xf32, #tpu.memory_space<vmem>>, vector<64xf32>
    %broadcast_in_dim3A_31 = vector.shape_cast %get3A_30 : vector<64xf32> to vector<1x64xf32>
    %sub3A_32 = vector.broadcast %div3A_20 : vector<1x64xf32> to vector<8192x64xf32>
    %sub3A_33 = arith.subf %add3A_16, %sub3A_32 : vector<8192x64xf32>
    %mul3A = vector.broadcast %broadcast_in_dim3A_31 : vector<1x64xf32> to vector<8192x64xf32>
    %mul3A_34 = arith.mulf %mul3A, %sub3A_33 : vector<8192x64xf32>
    %add3A_35 = arith.constant 9.99999974E-6 : f32
    %add3A_36 = vector.broadcast %add3A_35 : f32 to vector<1x64xf32>
    %add3A_37 = arith.addf %div3A_28, %add3A_36 : vector<1x64xf32>
    %sqrt3A = math.sqrt %add3A_37 : vector<1x64xf32>
    %div3A_38 = vector.broadcast %sqrt3A : vector<1x64xf32> to vector<8192x64xf32>
    %div3A_39 = arith.divf %mul3A_34, %div3A_38 : vector<8192x64xf32>
    %get3A_40 = arith.constant 0 : index
    %get3A_41 = vector.load %arg6[%get3A_40] : memref<64xf32, #tpu.memory_space<vmem>>, vector<64xf32>
    %broadcast_in_dim3A_42 = vector.shape_cast %get3A_41 : vector<64xf32> to vector<1x64xf32>
    %add3A_43 = vector.broadcast %broadcast_in_dim3A_42 : vector<1x64xf32> to vector<8192x64xf32>
    %add3A_44 = arith.addf %div3A_39, %add3A_43 : vector<8192x64xf32>
    %max3A = arith.constant 0.000000e+00 : f32
    %max3A_45 = vector.broadcast %max3A : f32 to vector<8192x64xf32>
    %max3A_46 = arith.maximumf %add3A_44, %max3A_45 : vector<8192x64xf32>
    %get3A_47 = arith.constant 0 : index
    %get3A_48 = arith.constant 0 : index
    %get3A_49 = vector.load %arg7[%get3A_47, %get3A_48] : memref<64x64xf32, #tpu.memory_space<vmem>>, vector<64x64xf32>
    %transpose3A = tpu.transpose %get3A_49, [1, 0] : vector<64x64xf32> -> vector<64x64xf32>
    %dot_general3A_50 = arith.constant dense<0.000000e+00> : vector<8192x64xf32>
    %dot_general3A_51 = tpu.matmul %max3A_46, %transpose3A, %dot_general3A_50 {dimension_numbers = #tpu.dot_dimension_numbers<[1], [0], [0], [1], [0, 0, 1, 1], [], []>, transpose_lhs_hint = false} : vector<8192x64xf32>, vector<64x64xf32>, vector<8192x64xf32> -> vector<8192x64xf32>
    %get3A_52 = arith.constant 0 : index
    %get3A_53 = vector.load %arg8[%get3A_52] : memref<64xf32, #tpu.memory_space<vmem>>, vector<64xf32>
    %broadcast_in_dim3A_54 = vector.shape_cast %get3A_53 : vector<64xf32> to vector<1x64xf32>
    %add3A_55 = vector.broadcast %broadcast_in_dim3A_54 : vector<1x64xf32> to vector<8192x64xf32>
    %add3A_56 = arith.addf %dot_general3A_51, %add3A_55 : vector<8192x64xf32>
    %swap3A = arith.constant 0 : index
    %swap3A_57 = arith.constant 0 : index
    %swap3A_58 = vector.load %arg9[%swap3A, %swap3A_57] : memref<8192x64xf32, #tpu.memory_space<vmem>>, vector<8192x64xf32>
    tpu.vector_store %arg9[%swap3A, %swap3A_57], %add3A_56 {strides = array<i32>} : memref<8192x64xf32, #tpu.memory_space<vmem>>, vector<8192x64xf32>,
    return
  }
}

</mosaic_0001>

<sc_bundles>
// kernel: kernel.7.cloned.1.call-start
scs
__scs_entry_jumppad:
0x0: {  	(pc) =	sbr.rel $0x88, $3  }
0x1: {  	(tag) =	ssettag $0x0;
	lr =	simm.s32 $0x1  }
0x2: {  	[smem:$0x3F94] =	sst lr;
	_ =	strace $0xD0000000  }
0x3: {  	_ = 	snop  }
0x4: {  	_ = 	snop  }
0x5: {  	_ = 	snop  }
0x6: {  	_ = 	snop  }
0x7: {  	_ = 	snop  }
__scs_overlays_trampoline_lowered:
0x8: {  	[smem:$0x3FA3] =	sst s0  }
0x9: {  	[smem:$0x3FA4] =	sst s1  }
0xa: {  	[smem:$0x3FA5] =	sst s2  }
0xb: {  	[smem:$0x3FA6] =	sst s3  }
0xc: {  	[smem:$0x3FA7] =	sst s4  }
0xd: {  	[smem:$0x3FA8] =	sst s5  }
0xe: {  	[smem:$0x3FA9] =	sst s6  }
0xf: {  	[smem:$0x3FAA] =	sst s7  }
0x10: {  	[smem:$0x3FAB] =	sst s8  }
0x11: {  	[smem:$0x3FAC] =	sst s9;
	s0 =	simm.s32 @!p0 $0x0  }
0x12: {  	s1 =	sld [smem:$0x3F92];
	s0 =	simm.s32 @p0 $0x1  }
0x13: {  	[smem:$0x3FAD] =	sst s0;
	s0 =	simm.s32 @!p1 $0x0  }
0x14: {  	s2 =	sld [smem:$0x3F91];
	s0 =	simm.s32 @p1 $0x1  }
0x15: {  	[smem:$0x3FAE] =	sst s0;
	s0 =	simm.s32 @!p2 $0x0  }
0x16: {  	s3 =	sld [smem:$0x3FDB];
	s0 =	simm.s32 @p2 $0x1  }
0x17: {  	s4 =	simm.s32 $0x1BF5;
	[smem:$0x3FB0] =	sst s0  }
0x18: {  	s0 =	sld [smem:$0x3F93];
	_ =	swait.ge [sflag:s4], $0x0  }
0x19: {  	s7 =	sld [smem:$0x3F94]  }
0x1a: {  	s8 =	sadd.s32 $0xFFFFE003, lr  }
0x1b: {  	s9 =	sadd.s32 $0xFFFFFEF7, lr;
	s5 =	simm.s32 $0xFFFFFFFF;
	p2 =	slt.u32 s8, $0xFFFFF086  }
0x1c: {  	p1 =	slt.u32 s9, $0xF7A;
	s5 =	simm.s32 @!p2 $0x0  }
0x1d: {  	s5 =	simm.s32 @p1 $0x1;
	p0 =	seq.s32 s7, s2  }
0x1e: {  	s7 =	smul.u32 @!p0 $0xF7A, s2;
	p2 =	seq.s32 @!p0 s5, $0x0  }
0x1f: {  	s9 =	smul.u32 $0xF7A, s1;
	s8 =	simm.s32 @!p0 $0x1BF5;
	p2 =	por !p2, p0  }
0x20: {  	[sflag:s8] =	ssyncset.s32 @!p0 $0xFFFFF086;
	s6 =	sadd.s32 @!p0 s3, s7;
	s7 =	simm.s32 @!p0 $0x108  }
0x21: {  	s3 =	sadd.s32 s3, s9;
	s6 =	sadd.s32 @!p0 $0x88, s6;
	s7 =	simm.s32 @p2 $0x1082  }
0x22: {  	[simem:s7], [sflag:s8] =	dma.local @!p0 [hbm:s6], $0xF7A  }
0x23: {  	s9 =	sor.u32 $0xD0000000, s2;
	s6 =	simm.s32 $0x108;
	_ =	swait.ge @!p0 [sflag:s8], $0x0  }
0x24: {  	s3 =	sadd.s32 $0x88, s3;
	s6 =	simm.s32 @!p1 $0x1082;
	[sflag:s4] =	ssyncset.s32 $0xFFFFF086  }
0x25: {  	[simem:s6], [sflag:s4] =	dma.local [hbm:s3], $0xF7A  }
0x26: {  	[smem:$0x3F94] =	sst s1;
	(tag) =	ssettag s2;
	_ =	strace s9  }
0x27: {  	s1 =	sld [smem:$0x3FA4]  }
0x28: {  	s2 =	sld [smem:$0x3FA5]  }
0x29: {  	s4 =	sld [smem:$0x3FA7]  }
0x2a: {  	p0 =	seq.s32 s5, $0x0;
	s5 =	sld [smem:$0x3FA8]  }
0x2b: {  	s6 =	sld [smem:$0x3FA9]  }
0x2c: {  	s7 =	sld [smem:$0x3FAA]  }
0x2d: {  	s3 =	simm.s32 $0x108;
	s8 =	sld [smem:$0x3FAB]  }
0x2e: {  	s3 =	simm.s32 @!p0 $0x1082;
	s9 =	sld [smem:$0x3FAC]  }
0x2f: {  	lr =	sadd.s32 s0, s3;
	s0 =	sld [smem:$0x3FA3]  }
0x30: {  	s3 =	sld [smem:$0x3FA6]  }
0x31: {  	[smem:$0x3FAF] =	sst s10  }
0x32: {  	s10 =	sld [smem:$0x3FAD];
	_ =	sdelay $0x3  }
0x33: {  	p0 =	seq.s32 s10, $0x1;
	s10 =	sld [smem:$0x3FAF];
	_ =	sdelay $0x3  }
0x34: {  	[smem:$0x3FAF] =	sst s10  }
0x35: {  	s10 =	sld [smem:$0x3FAE];
	_ =	sdelay $0x3  }
0x36: {  	p1 =	seq.s32 s10, $0x1;
	s10 =	sld [smem:$0x3FAF];
	_ =	sdelay $0x3  }
0x37: {  	[smem:$0x3FAF] =	sst s10  }
0x38: {  	s10 =	sld [smem:$0x3FB0]  }
0x39: {  	_ = 	snop;
	(pc) =	sbr.ind lr, $3  }
0x3a: {  	_ = 	snop  }
0x3b: {  	_ = 	snop  }
0x3c: {  	p2 =	seq.s32 s10, $0x1;
	s10 =	sld [smem:$0x3FAF]  }
0x3d: {  	_ =	shalt  }
0x3e: {  	_ =	shalt  }
0x3f: {  	_ =	shalt  }
0x40: {  	_ =	shalt  }
0x41: {  	_ =	shalt  }
0x42: {  	_ =	shalt  }
0x43: {  	_ =	shalt  }
0x44: {  	_ =	shalt  }
0x45: {  	_ =	shalt  }
0x46: {  	_ =	shalt  }
0x47: {  	_ =	shalt  }
0x48: {  	_ =	shalt  }
0x49: {  	_ =	shalt  }
0x4a: {  	_ =	shalt  }
0x4b: {  	_ =	shalt  }
0x4c: {  	_ =	shalt  }
0x4d: {  	_ =	shalt  }
0x4e: {  	_ =	shalt  }
0x4f: {  	_ =	shalt  }
0x50: {  	_ =	shalt  }
0x51: {  	_ =	shalt  }
0x52: {  	_ =	shalt  }
0x53: {  	_ =	shalt  }
0x54: {  	_ =	shalt  }
0x55: {  	_ =	shalt  }
0x56: {  	_ =	shalt  }
0x57: {  	_ =	shalt  }
0x58: {  	_ =	shalt  }
0x59: {  	_ =	shalt  }
0x5a: {  	_ =	shalt  }
0x5b: {  	_ =	shalt  }
0x5c: {  	_ =	shalt  }
0x5d: {  	_ =	shalt  }
0x5e: {  	_ =	shalt  }
0x5f: {  	_ =	shalt  }
0x60: {  	_ =	shalt  }
0x61: {  	_ =	shalt  }
0x62: {  	_ =	shalt  }
0x63: {  	_ =	shalt  }
0x64: {  	_ =	shalt  }
0x65: {  	_ =	shalt  }
0x66: {  	_ =	shalt  }
0x67: {  	_ =	shalt  }
0x68: {  	_ =	shalt  }
0x69: {  	_ =	shalt  }
0x6a: {  	_ =	shalt  }
0x6b: {  	_ =	shalt  }
0x6c: {  	_ =	shalt  }
0x6d: {  	_ =	shalt  }
0x6e: {  	_ =	shalt  }
0x6f: {  	_ =	shalt  }
0x70: {  	_ =	shalt  }
0x71: {  	_ =	shalt  }
0x72: {  	_ =	shalt  }
0x73: {  	_ =	shalt  }
0x74: {  	_ =	shalt  }
0x75: {  	_ =	shalt  }
0x76: {  	_ =	shalt  }
0x77: {  	_ =	shalt  }
0x78: {  	_ =	shalt  }
0x79: {  	_ =	shalt  }
0x7a: {  	_ =	shalt  }
0x7b: {  	_ =	shalt  }
0x7c: {  	_ =	shalt  }
0x7d: {  	_ =	shalt  }
0x7e: {  	_ =	shalt  }
0x7f: {  	_ =	shalt  }
0x80: {  	_ =	shalt  }
0x81: {  	_ =	shalt  }
0x82: {  	_ =	shalt  }
0x83: {  	_ =	shalt  }
0x84: {  	_ =	shalt  }
0x85: {  	_ =	shalt  }
0x86: {  	_ =	shalt  }
0x87: {  	_ =	shalt  }
.Lfunc_end0:
.L_simem_size_0:
called_computation_lowered:
.L_overlay_start_0:
0x88: {  	s2 =	sld [smem:$0x3FD9]  }
0x89: {  	s3 =	sld [smem:$0x3FFE];
	_ =	sdelay $0x1  }
0x8a: {  	s1 =	srdreg.scid  }
0x8b: {  	s0 =	sand.u32 $0x1, s1  }
0x8c: {  	s17 =	sshll.u32 s0, $0xA;
	s2 =	sadd.s32 s3, s2  }
0x8d: {  	s2 =	sadd.s32 s2, s17  }
0x8e: {  	[smem:$0x3FBB] =	sst s2  }
0x8f: {  	_ = 	snop  }
0x90: {  	s2 =	sld [smem:$0x3FD0];
	(tm) =	ssettm $0x1  }
0x91: {  	s18 =	sld [smem:$0x3FFB];
	_ =	sdelay $0x3  }
0x92: {  	_ =	strace s18  }
0x93: {  	s3 =	sld [smem:$0x3FFC];
	_ =	sdelay $0x3  }
0x94: {  	_ =	strace s3  }
0x95: {  	s3 =	sld [smem:$0x3FFD];
	_ =	sdelay $0x3  }
0x96: {  	_ =	strace s3  }
0x97: {  	_ =	strace $0x8FFFFFFF  }
0x98: {  	s19 =	sld [smem:$0x3FDB];
	_ =	sdelay $0x1  }
0x99: {  	s4 =	simm.s32 $_scs_section_size  }
0x9a: {  	s5 =	simm.s32 $_size__tile_overlayer_lowered;
	s6 =	simm.s32 $_tile_overlayer_lowered  }
0x9b: {  	s22 =	simm.s32 $0x1BFF;
	s21 =	sshll.u32 s6, $0x1;
	s3 =	sadd.s32 s4, s19  }
0x9c: {  	s7 =	simm.s32 $0x0;
	s20 =	sshll.u32 s5, $0x1;
	s5 =	sadd.s32 s21, s3  }
0x9d: {  	[timem:s7], [sflag:s22] =	dma.local [hbm:s5], s20  }
0x9e: {  	_ =	swait.ge [sflag:s22], s20  }
0x9f: {  	s4 =	ssub.s32 $0x0, s20;
	[sflag:s22] =	ssyncset.done $0x0  }
0xa0: {  	[sflag:s22] =	ssyncadd.s32 s4;
	_ =	sdelay $0x1  }
0xa1: {  	s23 =	simm.s32 $0x1B8B  }
0xa2: {  	_ =	swait.ge [sflag:s23], $0x1  }
0xa3: {  	[sflag:s23] =	ssyncset.done $0x0  }
0xa4: {  	s25 =	simm.s32 $0x1B8E;
	s24 =	sld [smem:$0x3FFE];
	[sflag:s23] =	ssyncadd.s32 $0xFFFFFFFF  }
0xa5: {  	s26 =	simm.s32 $execute0_lowered;
	[smem:$0x3FD2] =	sst s25  }
0xa6: {  	s5 =	sshll.u32 s26, $0x1;
	_ =	strace $0x80000046;
	[dreg:$0x1] =	wrdreg $0xFFFFFFFF  }
0xa7: {  	s28 =	simm.s32 $_size_execute0_lowered;
	s3 =	sadd.s32 s3, s5;
	[dreg:$0x0] =	wrdreg $0x0  }
0xa8: {  	s5 =	sshll.u32 s28, $0x1;
	[dreg:$0x2] =	wrdreg s3  }
0xa9: {  	[dreg:$0x3] =	wrdreg s5  }
0xaa: {  	[dreg:$0x4] =	wrdreg $0xC0  }
0xab: {  	_ =	task [dreg:s7], $0x5FFFF  }
0xac: {  	[dreg:$0x1] =	wrdreg $0xFFFFFFFF  }
0xad: {  	[dreg:$0x0] =	wrdreg $0x60  }
0xae: {  	[dreg:$0x2] =	wrdreg s24  }
0xaf: {  	[dreg:$0x3] =	wrdreg s2  }
0xb0: {  	[dreg:$0x4] =	wrdreg $0x9  }
0xb1: {  	_ =	task.clear_ibuf [dreg:s7], $0x5FFFF;
	_ =	strace $0x90000046  }
0xb2: {  	s29 =	simm.s32 $0x9;
	_ =	strace $0x80000048  }
0xb3: {  	_ =	swait.ge [sflag:s29], $0x1  }
0xb4: {  	[sflag:s29] =	ssyncadd.s32 $0xFFFFFFFF  }
0xb5: {  	_ =	strace $0x90000048  }
0xb6: {  	_ =	sfence  }
0xb7: {  	s30 =	sld [smem:$0x0];
	_ =	sdelay $0x2  }
0xb8: {  	s31 =	sshll.u32 s1, $0xD;
	s1 =	sshrl.u32 s1, $0x2  }
0xb9: {  	s3 =	sand.u32 $0x4000, s31;
	s1 =	sadd.s32 s1, s30  }
0xba: {  	s0 =	sor.u32 s3, s0;
	s1 =	sshll.u32 s1, $0x11  }
0xbb: {  	s0 =	sor.u32 s1, s0  }
0xbc: {  	s0 =	sadd.s32 $0x8F2B, s0  }
0xbd: {  	[sflag:s0] =	ssyncadd.remote.s32 $0x1  }
0xbe: {  	_ =	sfence.sel $0xFFFF  }
0xbf: {  	[dreg:$0x0] =	wrdreg $0xFFFFFFFF;
	(pc) =	sbr.abs _section_cstart, $3  }
0xc0: {  	[dreg:$0x1] =	wrdreg $0xFFFFFFFF  }
0xc1: {  	_ =	task.clear_ibuf [dreg:s7], $0x2FFFF;
	_ =	strace $0x9FFFFFFF  }
0xc2: {  	(tm) =	ssettm $0x7FFFFFFF  }
0xc3: {  	_ =	shalt  }
tec
execute0_lowered:
.L_overlay_start_1:
0x0: {  	(tag) =	ssettag $0x1  }
0x1: {  	s5 =	rddreg [dreg:$0x0]  }
0x2: {  	s1 =	rddreg [dreg:$0x1]  }
0x3: {  	s0 =	rddreg [dreg:$0x2];
	s2 =	simm.s32 $0x0;
	s3 =	srdreg.scid  }
0x4: {  	s10 =	simm.s32 $0x1;
	s11 =	simm.s32 $0x4080;
	s12 =	simm.s32 $0x0  }
0x5: {  	[smem:$0x7FF] =	sst s2;
	s6 =	sand.u32 $0x1, s3;
	s4 =	sadd.s32 $0x2600, s5  }
0x6: {  	s3 =	stileid.u32;
	s5 =	sadd.s32 $0x42600, s5;
	s7 =	ssub.s32 $0x2, s6  }
0x7: {  	s9 =	sshll.u32 s3, $0x9;
	s6 =	sshll.u32 s6, $0x8;
	s8 =	sshrl.u32 s7, $0x1  }
0x8: {  	_ =	strace $0x80000047;
	s6 =	sor.u32 s6, s9;
	s7 =	ssub.s32 s7, s8  }
0x9: {  	s9 =	simm.s32 $0x80;
	s8 =	simm.s32 $0x2;
	s7 =	smax.u32 s7, $0x1  }
.LBB2_1:
0xa: {  	s13 =	simm.s32 $0x0  }
.LBB2_2:
0xb: {  	s14 =	sshll.u32 s13, $0x3  }
0xc: {  	s14 =	sadd.s32 s6, s14  }
0xd: {  	s15 =	sshll.u32 s14, $0x1  }
0xe: {  	s16 =	simm.s32 $0x0;
	s15 =	sadd.s32 s1, s15  }
0xf: {  	[tilespmem:s16], [sflag:$0x2] =	stream.linear.gather [hbm4b:s15+s16], $0x80, $0x38;
	[tilespmem:$0x4480] =	vst v63  }
0x10: {  	_ =	swait.ge [sflag:s8], $0x80  }
0x11: {  	[sflag:s8] =	ssyncset.done $0x0  }
0x12: {  	[sflag:s8] =	ssyncadd.s32 $0xFFFFFF80  }
0x13: {  	[tilespmem:s9], [sflag:$0x1] =	stream.indirect.gather [hbm4b:s4+s9], $0x80, s16, s9, $0xb8;
	[tilespmem:$0x4480] =	vst v63  }
0x14: {  	_ =	swait.ge [sflag:s10], $0x4000  }
0x15: {  	[sflag:s10] =	ssyncset.done $0x0  }
0x16: {  	s15 =	simm.s32 $0x480;
	[sflag:s10] =	ssyncadd.s32 $0xFFFFC000  }
0x17: {  	v0 =	vld [tilespmem:s15+$0xFFFFFC80]  }
0x18: {  	v1 =	vld [tilespmem:s15+$0xFFFFFC00]  }
0x19: {  	v2 =	vld [tilespmem:s15+$0xFFFFFD00]  }
0x1a: {  	v3 =	vld [tilespmem:s15+$0xFFFFFD80]  }
0x1b: {  	v4 =	vld [tilespmem:s15+$0xFFFFFE00]  }
0x1c: {  	v5 =	vld [tilespmem:s15+$0xFFFFFE80]  }
0x1d: {  	v0 =	vmax.f32 v1, v0;
	v1 =	vld [tilespmem:s15+$0xFFFFFF00]  }
0x1e: {  	v0 =	vmax.f32 v0, v2;
	v2 =	vld [tilespmem:s15+$0xFFFFFF80]  }
0x1f: {  	v0 =	vmax.f32 v0, v3;
	v3 =	vld [tilespmem:s15+$0x0]  }
0x20: {  	v0 =	vmax.f32 v0, v4;
	v4 =	vld [tilespmem:s15+$0x80]  }
0x21: {  	v0 =	vmax.f32 v0, v5;
	v5 =	vld [tilespmem:s15+$0x100]  }
0x22: {  	v0 =	vmax.f32 v0, v1;
	v1 =	vld [tilespmem:s15+$0x180]  }
0x23: {  	v0 =	vmax.f32 v0, v2;
	v2 =	vld [tilespmem:s15+$0x200]  }
0x24: {  	v0 =	vmax.f32 v0, v3;
	v3 =	vld [tilespmem:s15+$0x280]  }
0x25: {  	v0 =	vmax.f32 v0, v4;
	v4 =	vld [tilespmem:s15+$0x300]  }
0x26: {  	v0 =	vmax.f32 v0, v5;
	v5 =	vld [tilespmem:s15+$0x380]  }
0x27: {  	v0 =	vmax.f32 v0, v1  }
0x28: {  	v0 =	vmax.f32 v0, v2  }
0x29: {  	v0 =	vmax.f32 v0, v3  }
0x2a: {  	v0 =	vmax.f32 v0, v4  }
0x2b: {  	s16 =	simm.s32 $0x0;
	v0 =	vmax.f32 v0, v5  }
0x2c: {  	[tilespmem:s16+$0x4080] =	vst v0  }
0x2d: {  	v0 =	vld [tilespmem:s15+$0xFFFFFC10]  }
0x2e: {  	v1 =	vld [tilespmem:s15+$0xFFFFFC90]  }
0x2f: {  	v2 =	vld [tilespmem:s15+$0xFFFFFD10]  }
0x30: {  	v3 =	vld [tilespmem:s15+$0xFFFFFD90]  }
0x31: {  	v4 =	vld [tilespmem:s15+$0xFFFFFE10]  }
0x32: {  	v5 =	vld [tilespmem:s15+$0xFFFFFE90]  }
0x33: {  	v0 =	vmax.f32 v0, v1;
	v1 =	vld [tilespmem:s15+$0xFFFFFF10]  }
0x34: {  	v0 =	vmax.f32 v0, v2;
	v2 =	vld [tilespmem:s15+$0xFFFFFF90]  }
0x35: {  	v0 =	vmax.f32 v0, v3;
	v3 =	vld [tilespmem:s15+$0x10]  }
0x36: {  	v0 =	vmax.f32 v0, v4;
	v4 =	vld [tilespmem:s15+$0x90]  }
0x37: {  	v0 =	vmax.f32 v0, v5;
	v5 =	vld [tilespmem:s15+$0x110]  }
0x38: {  	v0 =	vmax.f32 v0, v1;
	v1 =	vld [tilespmem:s15+$0x190]  }
0x39: {  	v0 =	vmax.f32 v0, v2;
	v2 =	vld [tilespmem:s15+$0x210]  }
0x3a: {  	v0 =	vmax.f32 v0, v3;
	v3 =	vld [tilespmem:s15+$0x290]  }
0x3b: {  	v0 =	vmax.f32 v0, v4;
	v4 =	vld [tilespmem:s15+$0x310]  }
0x3c: {  	v0 =	vmax.f32 v0, v5;
	v5 =	vld [tilespmem:s15+$0x390]  }
0x3d: {  	v0 =	vmax.f32 v0, v1  }
0x3e: {  	v0 =	vmax.f32 v0, v2  }
0x3f: {  	v0 =	vmax.f32 v0, v3  }
0x40: {  	v0 =	vmax.f32 v0, v4  }
0x41: {  	v0 =	vmax.f32 v0, v5  }
0x42: {  	[tilespmem:s16+$0x4090] =	vst v0  }
0x43: {  	v0 =	vld [tilespmem:s15+$0xFFFFFC20]  }
0x44: {  	v1 =	vld [tilespmem:s15+$0xFFFFFCA0]  }
0x45: {  	v2 =	vld [tilespmem:s15+$0xFFFFFD20]  }
0x46: {  	v3 =	vld [tilespmem:s15+$0xFFFFFDA0]  }
0x47: {  	v4 =	vld [tilespmem:s15+$0xFFFFFE20]  }
0x48: {  	v5 =	vld [tilespmem:s15+$0xFFFFFEA0]  }
0x49: {  	v0 =	vmax.f32 v0, v1;
	v1 =	vld [tilespmem:s15+$0xFFFFFF20]  }
0x4a: {  	v0 =	vmax.f32 v0, v2;
	v2 =	vld [tilespmem:s15+$0xFFFFFFA0]  }
0x4b: {  	v0 =	vmax.f32 v0, v3;
	v3 =	vld [tilespmem:s15+$0x20]  }
0x4c: {  	v0 =	vmax.f32 v0, v4;
	v4 =	vld [tilespmem:s15+$0xA0]  }
0x4d: {  	v0 =	vmax.f32 v0, v5;
	v5 =	vld [tilespmem:s15+$0x120]  }
0x4e: {  	v0 =	vmax.f32 v0, v1;
	v1 =	vld [tilespmem:s15+$0x1A0]  }
0x4f: {  	v0 =	vmax.f32 v0, v2;
	v2 =	vld [tilespmem:s15+$0x220]  }
0x50: {  	v0 =	vmax.f32 v0, v3;
	v3 =	vld [tilespmem:s15+$0x2A0]  }
0x51: {  	v0 =	vmax.f32 v0, v4;
	v4 =	vld [tilespmem:s15+$0x320]  }
0x52: {  	v0 =	vmax.f32 v0, v5;
	v5 =	vld [tilespmem:s15+$0x3A0]  }
0x53: {  	v0 =	vmax.f32 v0, v1  }
0x54: {  	v0 =	vmax.f32 v0, v2  }
0x55: {  	v0 =	vmax.f32 v0, v3  }
0x56: {  	v0 =	vmax.f32 v0, v4  }
0x57: {  	v0 =	vmax.f32 v0, v5  }
0x58: {  	[tilespmem:s16+$0x40A0] =	vst v0  }
0x59: {  	v0 =	vld [tilespmem:s15+$0xFFFFFC30]  }
0x5a: {  	v1 =	vld [tilespmem:s15+$0xFFFFFCB0]  }
0x5b: {  	v2 =	vld [tilespmem:s15+$0xFFFFFD30]  }
0x5c: {  	v3 =	vld [tilespmem:s15+$0xFFFFFDB0]  }
0x5d: {  	v4 =	vld [tilespmem:s15+$0xFFFFFE30]  }
0x5e: {  	v5 =	vld [tilespmem:s15+$0xFFFFFEB0]  }
0x5f: {  	v0 =	vmax.f32 v0, v1;
	v1 =	vld [tilespmem:s15+$0xFFFFFF30]  }
0x60: {  	v0 =	vmax.f32 v0, v2;
	v2 =	vld [tilespmem:s15+$0xFFFFFFB0]  }
0x61: {  	v0 =	vmax.f32 v0, v3;
	v3 =	vld [tilespmem:s15+$0x30]  }
0x62: {  	v0 =	vmax.f32 v0, v4;
	v4 =	vld [tilespmem:s15+$0xB0]  }
0x63: {  	v0 =	vmax.f32 v0, v5;
	v5 =	vld [tilespmem:s15+$0x130]  }
0x64: {  	v0 =	vmax.f32 v0, v1;
	v1 =	vld [tilespmem:s15+$0x1B0]  }
0x65: {  	v0 =	vmax.f32 v0, v2;
	v2 =	vld [tilespmem:s15+$0x230]  }
0x66: {  	v0 =	vmax.f32 v0, v3;
	v3 =	vld [tilespmem:s15+$0x2B0]  }
0x67: {  	v0 =	vmax.f32 v0, v4;
	v4 =	vld [tilespmem:s15+$0x330]  }
0x68: {  	v0 =	vmax.f32 v0, v5;
	v5 =	vld [tilespmem:s15+$0x3B0]  }
0x69: {  	v0 =	vmax.f32 v0, v1  }
0x6a: {  	v0 =	vmax.f32 v0, v2  }
0x6b: {  	v0 =	vmax.f32 v0, v3  }
0x6c: {  	v0 =	vmax.f32 v0, v4  }
0x6d: {  	v0 =	vmax.f32 v0, v5  }
0x6e: {  	[tilespmem:s16+$0x40B0] =	vst v0  }
0x6f: {  	v0 =	vld [tilespmem:s15+$0xFFFFFC40]  }
0x70: {  	v1 =	vld [tilespmem:s15+$0xFFFFFCC0]  }
0x71: {  	v2 =	vld [tilespmem:s15+$0xFFFFFD40]  }
0x72: {  	v3 =	vld [tilespmem:s15+$0xFFFFFDC0]  }
0x73: {  	v4 =	vld [tilespmem:s15+$0xFFFFFE40]  }
0x74: {  	v5 =	vld [tilespmem:s15+$0xFFFFFEC0]  }
0x75: {  	v0 =	vmax.f32 v0, v1;
	v1 =	vld [tilespmem:s15+$0xFFFFFF40]  }
0x76: {  	v0 =	vmax.f32 v0, v2;
	v2 =	vld [tilespmem:s15+$0xFFFFFFC0]  }
0x77: {  	v0 =	vmax.f32 v0, v3;
	v3 =	vld [tilespmem:s15+$0x40]  }
0x78: {  	v0 =	vmax.f32 v0, v4;
	v4 =	vld [tilespmem:s15+$0xC0]  }
0x79: {  	v0 =	vmax.f32 v0, v5;
	v5 =	vld [tilespmem:s15+$0x140]  }
0x7a: {  	v0 =	vmax.f32 v0, v1;
	v1 =	vld [tilespmem:s15+$0x1C0]  }
0x7b: {  	v0 =	vmax.f32 v0, v2;
	v2 =	vld [tilespmem:s15+$0x240]  }
0x7c: {  	v0 =	vmax.f32 v0, v3;
	v3 =	vld [tilespmem:s15+$0x2C0]  }
0x7d: {  	v0 =	vmax.f32 v0, v4;
	v4 =	vld [tilespmem:s15+$0x340]  }
0x7e: {  	v0 =	vmax.f32 v0, v5;
	v5 =	vld [tilespmem:s15+$0x3C0]  }
0x7f: {  	v0 =	vmax.f32 v0, v1  }
0x80: {  	v0 =	vmax.f32 v0, v2  }
0x81: {  	v0 =	vmax.f32 v0, v3  }
0x82: {  	v0 =	vmax.f32 v0, v4  }
0x83: {  	v0 =	vmax.f32 v0, v5  }
0x84: {  	[tilespmem:s16+$0x40C0] =	vst v0  }
0x85: {  	v0 =	vld [tilespmem:s15+$0xFFFFFC50]  }
0x86: {  	v1 =	vld [tilespmem:s15+$0xFFFFFCD0]  }
0x87: {  	v2 =	vld [tilespmem:s15+$0xFFFFFD50]  }
0x88: {  	v3 =	vld [tilespmem:s15+$0xFFFFFDD0]  }
0x89: {  	v4 =	vld [tilespmem:s15+$0xFFFFFE50]  }
0x8a: {  	v5 =	vld [tilespmem:s15+$0xFFFFFED0]  }
0x8b: {  	v0 =	vmax.f32 v0, v1;
	v1 =	vld [tilespmem:s15+$0xFFFFFF50]  }
0x8c: {  	v0 =	vmax.f32 v0, v2;
	v2 =	vld [tilespmem:s15+$0xFFFFFFD0]  }
0x8d: {  	v0 =	vmax.f32 v0, v3;
	v3 =	vld [tilespmem:s15+$0x50]  }
0x8e: {  	v0 =	vmax.f32 v0, v4;
	v4 =	vld [tilespmem:s15+$0xD0]  }
0x8f: {  	v0 =	vmax.f32 v0, v5;
	v5 =	vld [tilespmem:s15+$0x150]  }
0x90: {  	v0 =	vmax.f32 v0, v1;
	v1 =	vld [tilespmem:s15+$0x1D0]  }
0x91: {  	v0 =	vmax.f32 v0, v2;
	v2 =	vld [tilespmem:s15+$0x250]  }
0x92: {  	v0 =	vmax.f32 v0, v3;
	v3 =	vld [tilespmem:s15+$0x2D0]  }
0x93: {  	v0 =	vmax.f32 v0, v4;
	v4 =	vld [tilespmem:s15+$0x350]  }
0x94: {  	v0 =	vmax.f32 v0, v5;
	v5 =	vld [tilespmem:s15+$0x3D0]  }
0x95: {  	v0 =	vmax.f32 v0, v1  }
0x96: {  	v0 =	vmax.f32 v0, v2  }
0x97: {  	v0 =	vmax.f32 v0, v3  }
0x98: {  	v0 =	vmax.f32 v0, v4  }
0x99: {  	v0 =	vmax.f32 v0, v5  }
0x9a: {  	[tilespmem:s16+$0x40D0] =	vst v0  }
0x9b: {  	v0 =	vld [tilespmem:s15+$0xFFFFFC60]  }
0x9c: {  	v1 =	vld [tilespmem:s15+$0xFFFFFCE0]  }
0x9d: {  	v2 =	vld [tilespmem:s15+$0xFFFFFD60]  }
0x9e: {  	v3 =	vld [tilespmem:s15+$0xFFFFFDE0]  }
0x9f: {  	v4 =	vld [tilespmem:s15+$0xFFFFFE60]  }
0xa0: {  	v5 =	vld [tilespmem:s15+$0xFFFFFEE0]  }
0xa1: {  	v0 =	vmax.f32 v0, v1;
	v1 =	vld [tilespmem:s15+$0xFFFFFF60]  }
0xa2: {  	v0 =	vmax.f32 v0, v2;
	v2 =	vld [tilespmem:s15+$0xFFFFFFE0]  }
0xa3: {  	v0 =	vmax.f32 v0, v3;
	v3 =	vld [tilespmem:s15+$0x60]  }
0xa4: {  	v0 =	vmax.f32 v0, v4;
	v4 =	vld [tilespmem:s15+$0xE0]  }
0xa5: {  	v0 =	vmax.f32 v0, v5;
	v5 =	vld [tilespmem:s15+$0x160]  }
0xa6: {  	v0 =	vmax.f32 v0, v1;
	v1 =	vld [tilespmem:s15+$0x1E0]  }
0xa7: {  	v0 =	vmax.f32 v0, v2;
	v2 =	vld [tilespmem:s15+$0x260]  }
0xa8: {  	v0 =	vmax.f32 v0, v3;
	v3 =	vld [tilespmem:s15+$0x2E0]  }
0xa9: {  	v0 =	vmax.f32 v0, v4;
	v4 =	vld [tilespmem:s15+$0x360]  }
0xaa: {  	v0 =	vmax.f32 v0, v5;
	v5 =	vld [tilespmem:s15+$0x3E0]  }
0xab: {  	v0 =	vmax.f32 v0, v1  }
0xac: {  	v0 =	vmax.f32 v0, v2  }
0xad: {  	v0 =	vmax.f32 v0, v3  }
0xae: {  	v0 =	vmax.f32 v0, v4  }
0xaf: {  	v0 =	vmax.f32 v0, v5  }
0xb0: {  	[tilespmem:s16+$0x40E0] =	vst v0  }
0xb1: {  	v0 =	vld [tilespmem:s15+$0xFFFFFC70]  }
0xb2: {  	v1 =	vld [tilespmem:s15+$0xFFFFFCF0]  }
0xb3: {  	v2 =	vld [tilespmem:s15+$0xFFFFFD70]  }
0xb4: {  	v3 =	vld [tilespmem:s15+$0xFFFFFDF0]  }
0xb5: {  	v5 =	vld [tilespmem:s15+$0xFFFFFE70]  }
0xb6: {  	v6 =	vld [tilespmem:s15+$0xFFFFFEF0]  }
0xb7: {  	v7 =	vld [tilespmem:s15+$0xFFFFFF70];
	v0 =	vmax.f32 v0, v1  }
0xb8: {  	v8 =	vld [tilespmem:s15+$0xFFFFFFF0];
	v0 =	vmax.f32 v0, v2  }
0xb9: {  	v4 =	vld [tilespmem:s15+$0x70];
	v0 =	vmax.f32 v0, v3  }
0xba: {  	v1 =	vld [tilespmem:s15+$0xF0];
	v0 =	vmax.f32 v0, v5  }
0xbb: {  	v2 =	vld [tilespmem:s15+$0x170];
	v0 =	vmax.f32 v0, v6  }
0xbc: {  	v3 =	vmax.f32 v0, v7;
	v0 =	vld [tilespmem:s15+$0x1F0]  }
0xbd: {  	s17 =	simm.s32 $0x200;
	s18 =	simm.s32 $0x480;
	v5 =	vmax.f32 v3, v8;
	v3 =	vld [tilespmem:s15+$0x270]  }
.LBB2_3:
0xbe: {  	p0 =	sne.s32 s17, $0xE00  }
0xbf: {  	v4 =	vmax.f32 v5, v4;
	v5 =	vld [tilespmem:s15+$0x2F0];
	s18 =	sadd.s32 $0x800, s18;
	s19 =	smov.u32 s17;
	s17 =	sadd.s32 $0x200, s17  }
0xc0: {  	v1 =	vmax.f32 v4, v1;
	v4 =	vld [tilespmem:s15+$0x370]  }
0xc1: {  	v1 =	vmax.f32 v1, v2;
	v2 =	vld [tilespmem:s15+$0x3F0];
	s15 =	smov.u32 s18  }
0xc2: {  	v0 =	vmax.f32 v1, v0  }
0xc3: {  	v0 =	vmax.f32 v0, v3  }
0xc4: {  	v0 =	vmax.f32 v0, v5  }
0xc5: {  	v0 =	vmax.f32 v0, v4  }
0xc6: {  	v0 =	vmax.f32 v0, v2  }
0xc7: {  	[tilespmem:s16+$0x40F0] =	vst v0  }
0xc8: {  	v0 =	vld [tilespmem:s18+$0xFFFFFD00]  }
0xc9: {  	v1 =	vld [tilespmem:s18+$0xFFFFFC80]  }
0xca: {  	v2 =	vld [tilespmem:s18+$0xFFFFFC00]  }
0xcb: {  	v3 =	vld [tilespmem:s18+$0xFFFFFD80]  }
0xcc: {  	v4 =	vld [tilespmem:s18+$0xFFFFFE00];
	_ =	sdelay $0x1  }
0xcd: {  	v5 =	vld [tilespmem:s18+$0xFFFFFE80]  }
0xce: {  	v1 =	vmax.f32 v2, v1;
	v2 =	vld [tilespmem:s18+$0xFFFFFF00]  }
0xcf: {  	v0 =	vmax.f32 v1, v0;
	v1 =	vld [tilespmem:s18+$0xFFFFFF80]  }
0xd0: {  	v0 =	vmax.f32 v0, v3;
	v3 =	vld [tilespmem:s18+$0x0]  }
0xd1: {  	v0 =	vmax.f32 v0, v4;
	v4 =	vld [tilespmem:s18+$0x80]  }
0xd2: {  	v0 =	vmax.f32 v0, v5;
	v5 =	vld [tilespmem:s18+$0x100]  }
0xd3: {  	v0 =	vmax.f32 v0, v2;
	v2 =	vld [tilespmem:s18+$0x180]  }
0xd4: {  	v0 =	vmax.f32 v0, v1;
	v1 =	vld [tilespmem:s18+$0x200]  }
0xd5: {  	v0 =	vmax.f32 v0, v3;
	v3 =	vld [tilespmem:s18+$0x280]  }
0xd6: {  	v0 =	vmax.f32 v0, v4;
	v4 =	vld [tilespmem:s18+$0x300]  }
0xd7: {  	v0 =	vmax.f32 v0, v5;
	v5 =	vld [tilespmem:s18+$0x380]  }
0xd8: {  	v0 =	vmax.f32 v0, v2  }
0xd9: {  	v0 =	vmax.f32 v0, v1  }
0xda: {  	v0 =	vmax.f32 v0, v3  }
0xdb: {  	v0 =	vmax.f32 v0, v4  }
0xdc: {  	s16 =	sshra.s32 s19, $0x2;
	v0 =	vmax.f32 v0, v5  }
0xdd: {  	[tilespmem:s16+$0x4080] =	vst v0  }
0xde: {  	v0 =	vld [tilespmem:s18+$0xFFFFFC10]  }
0xdf: {  	v1 =	vld [tilespmem:s18+$0xFFFFFC90]  }
0xe0: {  	v2 =	vld [tilespmem:s18+$0xFFFFFD10]  }
0xe1: {  	v3 =	vld [tilespmem:s18+$0xFFFFFD90]  }
0xe2: {  	v4 =	vld [tilespmem:s18+$0xFFFFFE10]  }
0xe3: {  	v5 =	vld [tilespmem:s18+$0xFFFFFE90]  }
0xe4: {  	v0 =	vmax.f32 v0, v1;
	v1 =	vld [tilespmem:s18+$0xFFFFFF10]  }
0xe5: {  	v0 =	vmax.f32 v0, v2;
	v2 =	vld [tilespmem:s18+$0xFFFFFF90]  }
0xe6: {  	v0 =	vmax.f32 v0, v3;
	v3 =	vld [tilespmem:s18+$0x10]  }
0xe7: {  	v0 =	vmax.f32 v0, v4;
	v4 =	vld [tilespmem:s18+$0x90]  }
0xe8: {  	v0 =	vmax.f32 v0, v5;
	v5 =	vld [tilespmem:s18+$0x110]  }
0xe9: {  	v0 =	vmax.f32 v0, v1;
	v1 =	vld [tilespmem:s18+$0x190]  }
0xea: {  	v0 =	vmax.f32 v0, v2;
	v2 =	vld [tilespmem:s18+$0x210]  }
0xeb: {  	v0 =	vmax.f32 v0, v3;
	v3 =	vld [tilespmem:s18+$0x290]  }
0xec: {  	v0 =	vmax.f32 v0, v4;
	v4 =	vld [tilespmem:s18+$0x310]  }
0xed: {  	v0 =	vmax.f32 v0, v5;
	v5 =	vld [tilespmem:s18+$0x390]  }
0xee: {  	v0 =	vmax.f32 v0, v1  }
0xef: {  	v0 =	vmax.f32 v0, v2  }
0xf0: {  	v0 =	vmax.f32 v0, v3  }
0xf1: {  	v0 =	vmax.f32 v0, v4  }
0xf2: {  	v0 =	vmax.f32 v0, v5  }
0xf3: {  	[tilespmem:s16+$0x4090] =	vst v0  }
0xf4: {  	v0 =	vld [tilespmem:s18+$0xFFFFFC20]  }
0xf5: {  	v1 =	vld [tilespmem:s18+$0xFFFFFCA0]  }
0xf6: {  	v2 =	vld [tilespmem:s18+$0xFFFFFD20]  }
0xf7: {  	v3 =	vld [tilespmem:s18+$0xFFFFFDA0]  }
0xf8: {  	v4 =	vld [tilespmem:s18+$0xFFFFFE20]  }
0xf9: {  	v5 =	vld [tilespmem:s18+$0xFFFFFEA0]  }
0xfa: {  	v0 =	vmax.f32 v0, v1;
	v1 =	vld [tilespmem:s18+$0xFFFFFF20]  }
0xfb: {  	v0 =	vmax.f32 v0, v2;
	v2 =	vld [tilespmem:s18+$0xFFFFFFA0]  }
0xfc: {  	v0 =	vmax.f32 v0, v3;
	v3 =	vld [tilespmem:s18+$0x20]  }
0xfd: {  	v0 =	vmax.f32 v0, v4;
	v4 =	vld [tilespmem:s18+$0xA0]  }
0xfe: {  	v0 =	vmax.f32 v0, v5;
	v5 =	vld [tilespmem:s18+$0x120]  }
0xff: {  	v0 =	vmax.f32 v0, v1;
	v1 =	vld [tilespmem:s18+$0x1A0]  }
0x100: {  	v0 =	vmax.f32 v0, v2;
	v2 =	vld [tilespmem:s18+$0x220]  }
0x101: {  	v0 =	vmax.f32 v0, v3;
	v3 =	vld [tilespmem:s18+$0x2A0]  }
0x102: {  	v0 =	vmax.f32 v0, v4;
	v4 =	vld [tilespmem:s18+$0x320]  }
0x103: {  	v0 =	vmax.f32 v0, v5;
	v5 =	vld [tilespmem:s18+$0x3A0]  }
0x104: {  	v0 =	vmax.f32 v0, v1  }
0x105: {  	v0 =	vmax.f32 v0, v2  }
0x106: {  	v0 =	vmax.f32 v0, v3  }
0x107: {  	v0 =	vmax.f32 v0, v4  }
0x108: {  	v0 =	vmax.f32 v0, v5  }
0x109: {  	[tilespmem:s16+$0x40A0] =	vst v0  }
0x10a: {  	v0 =	vld [tilespmem:s18+$0xFFFFFC30]  }
0x10b: {  	v1 =	vld [tilespmem:s18+$0xFFFFFCB0]  }
0x10c: {  	v2 =	vld [tilespmem:s18+$0xFFFFFD30]  }
0x10d: {  	v3 =	vld [tilespmem:s18+$0xFFFFFDB0]  }
0x10e: {  	v4 =	vld [tilespmem:s18+$0xFFFFFE30]  }
0x10f: {  	v5 =	vld [tilespmem:s18+$0xFFFFFEB0]  }
0x110: {  	v0 =	vmax.f32 v0, v1;
	v1 =	vld [tilespmem:s18+$0xFFFFFF30]  }
0x111: {  	v0 =	vmax.f32 v0, v2;
	v2 =	vld [tilespmem:s18+$0xFFFFFFB0]  }
0x112: {  	v0 =	vmax.f32 v0, v3;
	v3 =	vld [tilespmem:s18+$0x30]  }
0x113: {  	v0 =	vmax.f32 v0, v4;
	v4 =	vld [tilespmem:s18+$0xB0]  }
0x114: {  	v0 =	vmax.f32 v0, v5;
	v5 =	vld [tilespmem:s18+$0x130]  }
0x115: {  	v0 =	vmax.f32 v0, v1;
	v1 =	vld [tilespmem:s18+$0x1B0]  }
0x116: {  	v0 =	vmax.f32 v0, v2;
	v2 =	vld [tilespmem:s18+$0x230]  }
0x117: {  	v0 =	vmax.f32 v0, v3;
	v3 =	vld [tilespmem:s18+$0x2B0]  }
0x118: {  	v0 =	vmax.f32 v0, v4;
	v4 =	vld [tilespmem:s18+$0x330]  }
0x119: {  	v0 =	vmax.f32 v0, v5;
	v5 =	vld [tilespmem:s18+$0x3B0]  }
0x11a: {  	v0 =	vmax.f32 v0, v1  }
0x11b: {  	v0 =	vmax.f32 v0, v2  }
0x11c: {  	v0 =	vmax.f32 v0, v3  }
0x11d: {  	v0 =	vmax.f32 v0, v4  }
0x11e: {  	v0 =	vmax.f32 v0, v5  }
0x11f: {  	[tilespmem:s16+$0x40B0] =	vst v0  }
0x120: {  	v0 =	vld [tilespmem:s18+$0xFFFFFC40]  }
0x121: {  	v1 =	vld [tilespmem:s18+$0xFFFFFCC0]  }
0x122: {  	v2 =	vld [tilespmem:s18+$0xFFFFFD40]  }
0x123: {  	v3 =	vld [tilespmem:s18+$0xFFFFFDC0]  }
0x124: {  	v4 =	vld [tilespmem:s18+$0xFFFFFE40]  }
0x125: {  	v5 =	vld [tilespmem:s18+$0xFFFFFEC0]  }
0x126: {  	v0 =	vmax.f32 v0, v1;
	v1 =	vld [tilespmem:s18+$0xFFFFFF40]  }
0x127: {  	v0 =	vmax.f32 v0, v2;
	v2 =	vld [tilespmem:s18+$0xFFFFFFC0]  }
0x128: {  	v0 =	vmax.f32 v0, v3;
	v3 =	vld [tilespmem:s18+$0x40]  }
0x129: {  	v0 =	vmax.f32 v0, v4;
	v4 =	vld [tilespmem:s18+$0xC0]  }
0x12a: {  	v0 =	vmax.f32 v0, v5;
	v5 =	vld [tilespmem:s18+$0x140]  }
0x12b: {  	v0 =	vmax.f32 v0, v1;
	v1 =	vld [tilespmem:s18+$0x1C0]  }
0x12c: {  	v0 =	vmax.f32 v0, v2;
	v2 =	vld [tilespmem:s18+$0x240]  }
0x12d: {  	v0 =	vmax.f32 v0, v3;
	v3 =	vld [tilespmem:s18+$0x2C0]  }
0x12e: {  	v0 =	vmax.f32 v0, v4;
	v4 =	vld [tilespmem:s18+$0x340]  }
0x12f: {  	v0 =	vmax.f32 v0, v5;
	v5 =	vld [tilespmem:s18+$0x3C0]  }
0x130: {  	v0 =	vmax.f32 v0, v1  }
0x131: {  	v0 =	vmax.f32 v0, v2  }
0x132: {  	v0 =	vmax.f32 v0, v3  }
0x133: {  	v0 =	vmax.f32 v0, v4  }
0x134: {  	v0 =	vmax.f32 v0, v5  }
0x135: {  	[tilespmem:s16+$0x40C0] =	vst v0  }
0x136: {  	v0 =	vld [tilespmem:s18+$0xFFFFFC50]  }
0x137: {  	v1 =	vld [tilespmem:s18+$0xFFFFFCD0]  }
0x138: {  	v2 =	vld [tilespmem:s18+$0xFFFFFD50]  }
0x139: {  	v3 =	vld [tilespmem:s18+$0xFFFFFDD0]  }
0x13a: {  	v4 =	vld [tilespmem:s18+$0xFFFFFE50]  }
0x13b: {  	v5 =	vld [tilespmem:s18+$0xFFFFFED0]  }
0x13c: {  	v0 =	vmax.f32 v0, v1;
	v1 =	vld [tilespmem:s18+$0xFFFFFF50]  }
0x13d: {  	v0 =	vmax.f32 v0, v2;
	v2 =	vld [tilespmem:s18+$0xFFFFFFD0]  }
0x13e: {  	v0 =	vmax.f32 v0, v3;
	v3 =	vld [tilespmem:s18+$0x50]  }
0x13f: {  	v0 =	vmax.f32 v0, v4;
	v4 =	vld [tilespmem:s18+$0xD0]  }
0x140: {  	v0 =	vmax.f32 v0, v5;
	v5 =	vld [tilespmem:s18+$0x150]  }
0x141: {  	v0 =	vmax.f32 v0, v1;
	v1 =	vld [tilespmem:s18+$0x1D0]  }
0x142: {  	v0 =	vmax.f32 v0, v2;
	v2 =	vld [tilespmem:s18+$0x250]  }
0x143: {  	v0 =	vmax.f32 v0, v3;
	v3 =	vld [tilespmem:s18+$0x2D0]  }
0x144: {  	v0 =	vmax.f32 v0, v4;
	v4 =	vld [tilespmem:s18+$0x350]  }
0x145: {  	v0 =	vmax.f32 v0, v5;
	v5 =	vld [tilespmem:s18+$0x3D0]  }
0x146: {  	v0 =	vmax.f32 v0, v1  }
0x147: {  	v0 =	vmax.f32 v0, v2  }
0x148: {  	v0 =	vmax.f32 v0, v3  }
0x149: {  	v0 =	vmax.f32 v0, v4  }
0x14a: {  	v0 =	vmax.f32 v0, v5  }
0x14b: {  	[tilespmem:s16+$0x40D0] =	vst v0  }
0x14c: {  	v0 =	vld [tilespmem:s18+$0xFFFFFC60]  }
0x14d: {  	v1 =	vld [tilespmem:s18+$0xFFFFFCE0]  }
0x14e: {  	v2 =	vld [tilespmem:s18+$0xFFFFFD60]  }
0x14f: {  	v3 =	vld [tilespmem:s18+$0xFFFFFDE0]  }
0x150: {  	v4 =	vld [tilespmem:s18+$0xFFFFFE60]  }
0x151: {  	v5 =	vld [tilespmem:s18+$0xFFFFFEE0]  }
0x152: {  	v0 =	vmax.f32 v0, v1;
	v1 =	vld [tilespmem:s18+$0xFFFFFF60]  }
0x153: {  	v0 =	vmax.f32 v0, v2;
	v2 =	vld [tilespmem:s18+$0xFFFFFFE0]  }
0x154: {  	v0 =	vmax.f32 v0, v3;
	v3 =	vld [tilespmem:s18+$0x60]  }
0x155: {  	v0 =	vmax.f32 v0, v4;
	v4 =	vld [tilespmem:s18+$0xE0]  }
0x156: {  	v0 =	vmax.f32 v0, v5;
	v5 =	vld [tilespmem:s18+$0x160]  }
0x157: {  	v0 =	vmax.f32 v0, v1;
	v1 =	vld [tilespmem:s18+$0x1E0]  }
0x158: {  	v0 =	vmax.f32 v0, v2;
	v2 =	vld [tilespmem:s18+$0x260]  }
0x159: {  	v0 =	vmax.f32 v0, v3;
	v3 =	vld [tilespmem:s18+$0x2E0]  }
0x15a: {  	v0 =	vmax.f32 v0, v4;
	v4 =	vld [tilespmem:s18+$0x360]  }
0x15b: {  	v0 =	vmax.f32 v0, v5;
	v5 =	vld [tilespmem:s18+$0x3E0]  }
0x15c: {  	v0 =	vmax.f32 v0, v1  }
0x15d: {  	v0 =	vmax.f32 v0, v2  }
0x15e: {  	v0 =	vmax.f32 v0, v3  }
0x15f: {  	v0 =	vmax.f32 v0, v4  }
0x160: {  	v0 =	vmax.f32 v0, v5  }
0x161: {  	[tilespmem:s16+$0x40E0] =	vst v0  }
0x162: {  	v0 =	vld [tilespmem:s18+$0xFFFFFC70]  }
0x163: {  	v1 =	vld [tilespmem:s18+$0xFFFFFCF0]  }
0x164: {  	v2 =	vld [tilespmem:s18+$0xFFFFFD70]  }
0x165: {  	v3 =	vld [tilespmem:s18+$0xFFFFFDF0]  }
0x166: {  	v5 =	vld [tilespmem:s18+$0xFFFFFE70]  }
0x167: {  	v6 =	vld [tilespmem:s18+$0xFFFFFEF0]  }
0x168: {  	v0 =	vmax.f32 v0, v1;
	v7 =	vld [tilespmem:s18+$0xFFFFFF70]  }
0x169: {  	v0 =	vmax.f32 v0, v2;
	v8 =	vld [tilespmem:s18+$0xFFFFFFF0]  }
.Ltmp0:
0x16a: {  	v0 =	vmax.f32 v0, v3;
	v4 =	vld [tilespmem:s18+$0x70];
	(pc) =	sbr.rel @p0 .LBB2_3-.Ltmp0, $4  }
0x16b: {  	v0 =	vmax.f32 v0, v5;
	v1 =	vld [tilespmem:s18+$0xF0]  }
0x16c: {  	v0 =	vmax.f32 v0, v6;
	v2 =	vld [tilespmem:s18+$0x170]  }
0x16d: {  	v3 =	vmax.f32 v0, v7;
	v0 =	vld [tilespmem:s18+$0x1F0]  }
0x16e: {  	v5 =	vmax.f32 v3, v8;
	v3 =	vld [tilespmem:s18+$0x270]  }
0x16f: {  	v4 =	vmax.f32 v5, v4;
	v61 =	vld [tilespmem:s15+$0x2F0]  }
0x170: {  	v62 =	vld [tilespmem:s15+$0x370];
	v1 =	vmax.f32 v4, v1  }
0x171: {  	v63 =	vld [tilespmem:s15+$0x3F0];
	v1 =	vmax.f32 v1, v2  }
0x172: {  	v0 =	vmax.f32 v1, v0  }
0x173: {  	v0 =	vmax.f32 v0, v3  }
0x174: {  	v0 =	vmax.f32 v0, v61  }
0x175: {  	s13 =	sadd.s32 $0x1, s13;
	v0 =	vmax.f32 v0, v62  }
0x176: {  	s14 =	sshll.u32 s14, $0x4;
	p0 =	sne.s32 s13, $0x20;
	v0 =	vmax.f32 v0, v63  }
.Ltmp1:
0x177: {  	s14 =	sadd.s32 s5, s14;
	[tilespmem:s16+$0x40F0] =	vst v0;
	(pc) =	sbr.rel @p0 .LBB2_2-.Ltmp1, $4  }
0x178: {  	[hbm4b:s14+s2] =	stream.linear.scatter [tilespmem:s11], [sflag:$0x2], $0x400, $0x38;
	[tilespmem:$0x4480] =	vst v63  }
0x179: {  	_ =	swait.ge [sflag:s8], $0x400  }
0x17a: {  	[sflag:s8] =	ssyncset.done $0x0  }
0x17b: {  	[sflag:s8] =	ssyncadd.s32 $0xFFFFFC00  }
0x17c: {  	s12 =	sadd.s32 $0x1, s12  }
0x17d: {  	p0 =	sne.s32 s12, s7  }
.Ltmp2:
0x17e: {  	_ = 	snop;
	(pc) =	sbr.rel @p0 .LBB2_1-.Ltmp2, $1  }
0x17f: {  	_ =	sdelay $0x3  }
0x180: {  	_ =	sfence.sel $0x180000  }
0x181: {  	[bflag:$0x0] =	sbarrier.arrive $0xFFFF  }
0x182: {  	p0 =	sne.s32 s3, $0x0;
	_ =	strace $0x90000047  }
0x183: {  	s0 =	sadd.s32 @!p0 $0x100000, s0;
	[bflag:$0x2] =	sbarrier.arrive $0xFFFF  }
0x184: {  	[sflag:s0] =	ssyncadd.tile.s32 @!p0 $0x1;
	_ =	shalt  }
.Lfunc_end2:
_tile_overlayer_lowered:
.L_overlay_start_2:
0x185: {  	(tag) =	ssettag $0x2  }
0x186: {  	s0 =	rddreg [dreg:$0x0];
	s2 =	stileid.u32  }
0x187: {  	s1 =	rddreg [dreg:$0x1];
	p0 =	sne.s32 s2, $0x0  }
0x188: {  	s3 =	rddreg [dreg:$0x2];
	[bflag:$0x3] =	sbarrier.arrive $0xFFFF;
	s2 =	simm.s32 @!p0 $0x1C02  }
0x189: {  	[timem:s3], [sflag:s2] =	dma.local @!p0 [hbm:s0], s1  }
0x18a: {  	s0 =	simm.s32 @!p0 $0x2  }
0x18b: {  	_ =	swait.ge @!p0 [sflag:s0], s1  }
0x18c: {  	s1 =	ssub.s32 @!p0 $0x0, s1;
	[sflag:s0] =	ssyncset.done @!p0 $0x0  }
0x18d: {  	[sflag:s0] =	ssyncadd.s32 @!p0 s1  }
0x18e: {  	[bflag:$0x3] =	sbarrier.arrive $0xFFFF  }
0x18f: {  	_ =	shalt  }

</sc_bundles>
